<compile_context>
chip_gen: v7x
topology: tpu7x:2x2x1
jax: 0.10.2.dev20260603
libtpu: 0.0.44.dev20260713+nightly
codegen_flags: <defaults>
</compile_context>

<pallas_src>
import functools

import jax
import jax.numpy as jnp
from jax import lax
from jax.experimental import pallas as pl
from jax.experimental.pallas import tpu as pltpu
from jax.experimental.pallas import tpu_sc as plsc

EPS = 1e-5


def _ln_table_body(table_ref, w_ref, b_ref, out_ref):
    t = table_ref[...]
    mean = jnp.mean(t, axis=-1, keepdims=True)
    var = jnp.mean(jnp.square(t - mean), axis=-1, keepdims=True)
    out_ref[...] = (t - mean) * lax.rsqrt(var + EPS) * w_ref[...] + b_ref[...]


def _normalize_table(table, ln_weight, ln_bias):
    rows, hidden = table.shape
    return pl.pallas_call(
        _ln_table_body,
        out_shape=jax.ShapeDtypeStruct((rows, hidden), jnp.float32),
    )(table, ln_weight.reshape(1, hidden), ln_bias.reshape(1, hidden))


def _make_sc_gather(tokens, hidden, rows):
    info = plsc.get_sparse_core_info()
    nc, ns, nl = info.num_cores, info.num_subcores, info.num_lanes
    nw = nc * ns
    per_w = tokens // nw
    ngroups = per_w // nl
    mesh = plsc.VectorSubcoreMesh(core_axis_name="c", subcore_axis_name="s")

    @functools.partial(
        pl.kernel,
        mesh=mesh,
        out_type=jax.ShapeDtypeStruct((tokens, hidden), jnp.float32),
        scratch_types=[
            pltpu.VMEM((rows, hidden), jnp.float32),
            pltpu.VMEM((per_w,), jnp.int32),
            pltpu.VMEM((nl, hidden), jnp.float32),
            pltpu.SemaphoreType.DMA,
        ],
    )
    def sc_gather(normed_hbm, idx_hbm, out_hbm, tab_v, idx_v, drain_v, osem):
        wid = lax.axis_index("s") * nc + lax.axis_index("c")
        base = wid * per_w
        pltpu.sync_copy(normed_hbm, tab_v)
        pltpu.sync_copy(idx_hbm.at[pl.ds(base, per_w)], idx_v)

        def group(g, carry):
            iv = idx_v[pl.ds(g * nl, nl)]
            for j in range(nl):
                t = g * nl + j
                pltpu.async_copy(
                    tab_v.at[pl.ds(iv[j], 1)],
                    out_hbm.at[pl.ds(base + t, 1)],
                    osem,
                )
            @pl.when(g > 0)
            def _():
                pltpu.make_async_copy(
                    out_hbm.at[pl.ds(base, nl)], drain_v, osem
                ).wait()
            return carry

        lax.fori_loop(0, ngroups, group, 0)
        pltpu.make_async_copy(out_hbm.at[pl.ds(base, nl)], drain_v, osem).wait()

    return sc_gather


def kernel(type_token, table, ln_weight, ln_bias):
    b, s = type_token.shape
    rows, hidden = table.shape
    tokens = b * s
    normed = _normalize_table(table, ln_weight, ln_bias)
    idx = type_token.reshape(tokens).astype(jnp.int32)
    out = _make_sc_gather(tokens, hidden, rows)(normed, idx)
    return out.reshape(b, s, hidden)

# --- scband reference (transcript-rebuilt; emitter-appended) ---
"""Pipeline reference for scband-type-embedding-57999238365231 (READ-ONLY COPY).

The authoritative reference and input builder live on the scoring server;
editing this copy changes nothing except your own understanding.
"""

import jax, jax.numpy as jnp
import numpy as np

TYPE_SIZE = 3
HIDDEN = 2048
BATCH = 4
SEQ = 4096
EPS = 1e-5

def setup_inputs(seed: int = 0) -> dict:
    key = jax.random.key(seed)
    k1, k2 = jax.random.split(key)
    type_token = jax.random.randint(k1, (BATCH, SEQ), 0, TYPE_SIZE, dtype=jnp.int64 if jax.config.jax_enable_x64 else jnp.int32)
    table = jax.random.normal(k2, (TYPE_SIZE, HIDDEN), dtype=jnp.float32)
    ln_weight = jnp.ones((HIDDEN,), dtype=jnp.float32)
    ln_bias = jnp.zeros((HIDDEN,), dtype=jnp.float32)
    return {"type_token": type_token, "table": table, "ln_weight": ln_weight, "ln_bias": ln_bias}

def reference(type_token, table, ln_weight, ln_bias):
    # nn.Embedding lookup
    emb = jnp.take(table, type_token, axis=0)  # [B, S, H]
    # nn.LayerNorm over last dim (elementwise affine)
    mean = jnp.mean(emb, axis=-1, keepdims=True)
    var = jnp.mean(jnp.square(emb - mean), axis=-1, keepdims=True)
    normed = (emb - mean) / jnp.sqrt(var + EPS)
    out = normed * ln_weight + ln_bias
    # dropout is identity in eval mode
    return out

if __name__ == "__main__":
    import jax
    _d = setup_inputs()
    print(jax.jit(kernel)(*tuple(_d.values())))

</pallas_src>

<mosaic_0001>
#map = affine_map<(d0, d1) -> (0, 0)>
#map1 = affine_map<(d0, d1) -> (0)>
module attributes {stable_mosaic.version = 14 : i64} {
  func.func @sc_gather(%arg0: i32, %arg1: i32, %arg2: memref<3x2048xf32, #tpu.memory_space<hbm>>, %arg3: memref<16384xi32, #tpu.memory_space<hbm>>, %arg4: memref<16384x2048xf32, #tpu.memory_space<hbm>>, %arg5: memref<3x2048xf32, #tpu.memory_space<vmem>>, %arg6: memref<512xi32, #tpu.memory_space<vmem>>, %arg7: memref<16x2048xf32, #tpu.memory_space<vmem>>, %arg8: memref<!tpu.dma_semaphore, #tpu.memory_space<semaphore_mem>>) attributes {dimension_semantics = [#tpu.dimension_semantics<core_parallel>, #tpu.dimension_semantics<subcore_parallel>], iteration_bounds = array<i64: 2, 16>, scalar_prefetch = 0 : i64, scratch_operands = 4 : i64, tpu.core_type = #tpu.core_type<sc_vector_subcore>, window_params = [{transform_indices = #map}, {transform_indices = #map1}, {transform_indices = #map}]} {
    %mul3A = arith.constant 2 : i32
    %mul3A_0 = arith.muli %arg1, %mul3A : i32
    %add3A = arith.addi %mul3A_0, %arg0 : i32
    %mul3A_1 = arith.constant 512 : i32
    %mul3A_2 = arith.muli %add3A, %mul3A_1 : i32
    "tpu.region"() ({
      %run_scoped3A = tpu.sem_alloc : memref<!tpu.dma_semaphore, #tpu.memory_space<semaphore_mem>>
      tpu.enqueue_dma source(%arg2 : memref<3x2048xf32, #tpu.memory_space<hbm>>) target(%arg5 : memref<3x2048xf32, #tpu.memory_space<vmem>>) target_semaphore(%run_scoped3A : memref<!tpu.dma_semaphore, #tpu.memory_space<semaphore_mem>>)
      tpu.wait_dma2 semaphore(%run_scoped3A : memref<!tpu.dma_semaphore, #tpu.memory_space<semaphore_mem>>) src(%arg2 : memref<3x2048xf32, #tpu.memory_space<hbm>>) dst(%arg5 : memref<3x2048xf32, #tpu.memory_space<vmem>>)
      tpu.yield
    }) : () -> ()
    "tpu.region"() ({
      %run_scoped3A = tpu.sem_alloc : memref<!tpu.dma_semaphore, #tpu.memory_space<semaphore_mem>>
      %dma_start3A = tpu.memref_slice %arg3[%mul3A_2] : memref<16384xi32, #tpu.memory_space<hbm>> -> memref<512xi32, #tpu.memory_space<hbm>>
      %dma_start3A_11 = tpu.memref_slice %arg3[%mul3A_2] : memref<16384xi32, #tpu.memory_space<hbm>> -> memref<512xi32, #tpu.memory_space<hbm>>
      tpu.enqueue_dma source(%dma_start3A_11 : memref<512xi32, #tpu.memory_space<hbm>>) target(%arg6 : memref<512xi32, #tpu.memory_space<vmem>>) target_semaphore(%run_scoped3A : memref<!tpu.dma_semaphore, #tpu.memory_space<semaphore_mem>>)
      %dma_wait3A_12 = tpu.memref_slice %arg3[%mul3A_2] : memref<16384xi32, #tpu.memory_space<hbm>> -> memref<512xi32, #tpu.memory_space<hbm>>
      %dma_wait3A_13 = tpu.memref_slice %arg3[%mul3A_2] : memref<16384xi32, #tpu.memory_space<hbm>> -> memref<512xi32, #tpu.memory_space<hbm>>
      tpu.wait_dma2 semaphore(%run_scoped3A : memref<!tpu.dma_semaphore, #tpu.memory_space<semaphore_mem>>) src(%dma_wait3A_13 : memref<512xi32, #tpu.memory_space<hbm>>) dst(%arg6 : memref<512xi32, #tpu.memory_space<vmem>>)
      tpu.yield
    }) : () -> ()
    %scan3A = arith.constant 0 : i32
    %scan3A_3 = arith.constant 0 : i32
    %scan3A_4 = arith.constant 32 : i32
    %scan3A_5 = arith.addi %scan3A_3, %scan3A_4 : i32
    %scan3A_6 = arith.constant 1 : i32
    scf.for %scan3A_11 = %scan3A_3 to %scan3A_5 step %scan3A_6  : i32 {
      %mul3A_12 = arith.constant 16 : i32
      %mul3A_13 = arith.muli %scan3A_11, %mul3A_12 : i32
      %get3A = arith.index_cast %mul3A_13 : i32 to index
      %get3A_14 = tpu.vector_load %arg6[%get3A] {strides = array<i32>} : memref<512xi32, #tpu.memory_space<vmem>>, vector<16xi32>,
      %get3A_15 = vector.shape_cast %get3A_14 : vector<16xi32> to vector<16xi32>
      %mul3A_16 = arith.constant 16 : i32
      %mul3A_17 = arith.muli %scan3A_11, %mul3A_16 : i32
      %add3A_18 = arith.constant 0 : i32
      %add3A_19 = arith.addi %mul3A_17, %add3A_18 : i32
      %slice3A = vector.extract_strided_slice %get3A_15 {offsets = [0], sizes = [1], strides = [1]} : vector<16xi32> to vector<1xi32>
      %squeeze3A = vector.extract %slice3A[0] : i32 from vector<1xi32>
      %add3A_20 = arith.addi %mul3A_2, %add3A_19 : i32
      %dma_start3A = arith.constant 0 : i32
      %dma_start3A_21 = tpu.memref_slice %arg5[%squeeze3A, %dma_start3A] : memref<3x2048xf32, #tpu.memory_space<vmem>> -> memref<1x2048xf32, #tpu.memory_space<vmem>>
      %dma_start3A_22 = arith.constant 0 : i32
      %dma_start3A_23 = tpu.memref_slice %arg4[%add3A_20, %dma_start3A_22] : memref<16384x2048xf32, #tpu.memory_space<hbm>> -> memref<1x2048xf32, #tpu.memory_space<hbm>>
      %dma_start3A_24 = arith.constant 0 : i32
      %dma_start3A_25 = tpu.memref_slice %arg4[%add3A_20, %dma_start3A_24] : memref<16384x2048xf32, #tpu.memory_space<hbm>> -> memref<1x2048xf32, #tpu.memory_space<hbm>>
      %dma_start3A_26 = arith.constant 0 : i32
      %dma_start3A_27 = tpu.memref_slice %arg5[%squeeze3A, %dma_start3A_26] : memref<3x2048xf32, #tpu.memory_space<vmem>> -> memref<1x2048xf32, #tpu.memory_space<vmem>>
      tpu.enqueue_dma source(%dma_start3A_27 : memref<1x2048xf32, #tpu.memory_space<vmem>>) target(%dma_start3A_25 : memref<1x2048xf32, #tpu.memory_space<hbm>>) target_semaphore(%arg8 : memref<!tpu.dma_semaphore, #tpu.memory_space<semaphore_mem>>)
      %mul3A_28 = arith.constant 16 : i32
      %mul3A_29 = arith.muli %scan3A_11, %mul3A_28 : i32
      %add3A_30 = arith.constant 1 : i32
      %add3A_31 = arith.addi %mul3A_29, %add3A_30 : i32
      %slice3A_32 = vector.extract_strided_slice %get3A_15 {offsets = [1], sizes = [1], strides = [1]} : vector<16xi32> to vector<1xi32>
      %squeeze3A_33 = vector.extract %slice3A_32[0] : i32 from vector<1xi32>
      %add3A_34 = arith.addi %mul3A_2, %add3A_31 : i32
      %dma_start3A_35 = arith.constant 0 : i32
      %dma_start3A_36 = tpu.memref_slice %arg5[%squeeze3A_33, %dma_start3A_35] : memref<3x2048xf32, #tpu.memory_space<vmem>> -> memref<1x2048xf32, #tpu.memory_space<vmem>>
      %dma_start3A_37 = arith.constant 0 : i32
      %dma_start3A_38 = tpu.memref_slice %arg4[%add3A_34, %dma_start3A_37] : memref<16384x2048xf32, #tpu.memory_space<hbm>> -> memref<1x2048xf32, #tpu.memory_space<hbm>>
      %dma_start3A_39 = arith.constant 0 : i32
      %dma_start3A_40 = tpu.memref_slice %arg4[%add3A_34, %dma_start3A_39] : memref<16384x2048xf32, #tpu.memory_space<hbm>> -> memref<1x2048xf32, #tpu.memory_space<hbm>>
      %dma_start3A_41 = arith.constant 0 : i32
      %dma_start3A_42 = tpu.memref_slice %arg5[%squeeze3A_33, %dma_start3A_41] : memref<3x2048xf32, #tpu.memory_space<vmem>> -> memref<1x2048xf32, #tpu.memory_space<vmem>>
      tpu.enqueue_dma source(%dma_start3A_42 : memref<1x2048xf32, #tpu.memory_space<vmem>>) target(%dma_start3A_40 : memref<1x2048xf32, #tpu.memory_space<hbm>>) target_semaphore(%arg8 : memref<!tpu.dma_semaphore, #tpu.memory_space<semaphore_mem>>)
      %mul3A_43 = arith.constant 16 : i32
      %mul3A_44 = arith.muli %scan3A_11, %mul3A_43 : i32
      %add3A_45 = arith.constant 2 : i32
      %add3A_46 = arith.addi %mul3A_44, %add3A_45 : i32
      %slice3A_47 = vector.extract_strided_slice %get3A_15 {offsets = [2], sizes = [1], strides = [1]} : vector<16xi32> to vector<1xi32>
      %squeeze3A_48 = vector.extract %slice3A_47[0] : i32 from vector<1xi32>
      %add3A_49 = arith.addi %mul3A_2, %add3A_46 : i32
      %dma_start3A_50 = arith.constant 0 : i32
      %dma_start3A_51 = tpu.memref_slice %arg5[%squeeze3A_48, %dma_start3A_50] : memref<3x2048xf32, #tpu.memory_space<vmem>> -> memref<1x2048xf32, #tpu.memory_space<vmem>>
      %dma_start3A_52 = arith.constant 0 : i32
      %dma_start3A_53 = tpu.memref_slice %arg4[%add3A_49, %dma_start3A_52] : memref<16384x2048xf32, #tpu.memory_space<hbm>> -> memref<1x2048xf32, #tpu.memory_space<hbm>>
      %dma_start3A_54 = arith.constant 0 : i32
      %dma_start3A_55 = tpu.memref_slice %arg4[%add3A_49, %dma_start3A_54] : memref<16384x2048xf32, #tpu.memory_space<hbm>> -> memref<1x2048xf32, #tpu.memory_space<hbm>>
      %dma_start3A_56 = arith.constant 0 : i32
      %dma_start3A_57 = tpu.memref_slice %arg5[%squeeze3A_48, %dma_start3A_56] : memref<3x2048xf32, #tpu.memory_space<vmem>> -> memref<1x2048xf32, #tpu.memory_space<vmem>>
      tpu.enqueue_dma source(%dma_start3A_57 : memref<1x2048xf32, #tpu.memory_space<vmem>>) target(%dma_start3A_55 : memref<1x2048xf32, #tpu.memory_space<hbm>>) target_semaphore(%arg8 : memref<!tpu.dma_semaphore, #tpu.memory_space<semaphore_mem>>)
      %mul3A_58 = arith.constant 16 : i32
      %mul3A_59 = arith.muli %scan3A_11, %mul3A_58 : i32
      %add3A_60 = arith.constant 3 : i32
      %add3A_61 = arith.addi %mul3A_59, %add3A_60 : i32
      %slice3A_62 = vector.extract_strided_slice %get3A_15 {offsets = [3], sizes = [1], strides = [1]} : vector<16xi32> to vector<1xi32>
      %squeeze3A_63 = vector.extract %slice3A_62[0] : i32 from vector<1xi32>
      %add3A_64 = arith.addi %mul3A_2, %add3A_61 : i32
      %dma_start3A_65 = arith.constant 0 : i32
      %dma_start3A_66 = tpu.memref_slice %arg5[%squeeze3A_63, %dma_start3A_65] : memref<3x2048xf32, #tpu.memory_space<vmem>> -> memref<1x2048xf32, #tpu.memory_space<vmem>>
      %dma_start3A_67 = arith.constant 0 : i32
      %dma_start3A_68 = tpu.memref_slice %arg4[%add3A_64, %dma_start3A_67] : memref<16384x2048xf32, #tpu.memory_space<hbm>> -> memref<1x2048xf32, #tpu.memory_space<hbm>>
      %dma_start3A_69 = arith.constant 0 : i32
      %dma_start3A_70 = tpu.memref_slice %arg4[%add3A_64, %dma_start3A_69] : memref<16384x2048xf32, #tpu.memory_space<hbm>> -> memref<1x2048xf32, #tpu.memory_space<hbm>>
      %dma_start3A_71 = arith.constant 0 : i32
      %dma_start3A_72 = tpu.memref_slice %arg5[%squeeze3A_63, %dma_start3A_71] : memref<3x2048xf32, #tpu.memory_space<vmem>> -> memref<1x2048xf32, #tpu.memory_space<vmem>>
      tpu.enqueue_dma source(%dma_start3A_72 : memref<1x2048xf32, #tpu.memory_space<vmem>>) target(%dma_start3A_70 : memref<1x2048xf32, #tpu.memory_space<hbm>>) target_semaphore(%arg8 : memref<!tpu.dma_semaphore, #tpu.memory_space<semaphore_mem>>)
      %mul3A_73 = arith.constant 16 : i32
      %mul3A_74 = arith.muli %scan3A_11, %mul3A_73 : i32
      %add3A_75 = arith.constant 4 : i32
      %add3A_76 = arith.addi %mul3A_74, %add3A_75 : i32
      %slice3A_77 = vector.extract_strided_slice %get3A_15 {offsets = [4], sizes = [1], strides = [1]} : vector<16xi32> to vector<1xi32>
      %squeeze3A_78 = vector.extract %slice3A_77[0] : i32 from vector<1xi32>
      %add3A_79 = arith.addi %mul3A_2, %add3A_76 : i32
      %dma_start3A_80 = arith.constant 0 : i32
      %dma_start3A_81 = tpu.memref_slice %arg5[%squeeze3A_78, %dma_start3A_80] : memref<3x2048xf32, #tpu.memory_space<vmem>> -> memref<1x2048xf32, #tpu.memory_space<vmem>>
      %dma_start3A_82 = arith.constant 0 : i32
      %dma_start3A_83 = tpu.memref_slice %arg4[%add3A_79, %dma_start3A_82] : memref<16384x2048xf32, #tpu.memory_space<hbm>> -> memref<1x2048xf32, #tpu.memory_space<hbm>>
      %dma_start3A_84 = arith.constant 0 : i32
      %dma_start3A_85 = tpu.memref_slice %arg4[%add3A_79, %dma_start3A_84] : memref<16384x2048xf32, #tpu.memory_space<hbm>> -> memref<1x2048xf32, #tpu.memory_space<hbm>>
      %dma_start3A_86 = arith.constant 0 : i32
      %dma_start3A_87 = tpu.memref_slice %arg5[%squeeze3A_78, %dma_start3A_86] : memref<3x2048xf32, #tpu.memory_space<vmem>> -> memref<1x2048xf32, #tpu.memory_space<vmem>>
      tpu.enqueue_dma source(%dma_start3A_87 : memref<1x2048xf32, #tpu.memory_space<vmem>>) target(%dma_start3A_85 : memref<1x2048xf32, #tpu.memory_space<hbm>>) target_semaphore(%arg8 : memref<!tpu.dma_semaphore, #tpu.memory_space<semaphore_mem>>)
      %mul3A_88 = arith.constant 16 : i32
      %mul3A_89 = arith.muli %scan3A_11, %mul3A_88 : i32
      %add3A_90 = arith.constant 5 : i32
      %add3A_91 = arith.addi %mul3A_89, %add3A_90 : i32
      %slice3A_92 = vector.extract_strided_slice %get3A_15 {offsets = [5], sizes = [1], strides = [1]} : vector<16xi32> to vector<1xi32>
      %squeeze3A_93 = vector.extract %slice3A_92[0] : i32 from vector<1xi32>
      %add3A_94 = arith.addi %mul3A_2, %add3A_91 : i32
      %dma_start3A_95 = arith.constant 0 : i32
      %dma_start3A_96 = tpu.memref_slice %arg5[%squeeze3A_93, %dma_start3A_95] : memref<3x2048xf32, #tpu.memory_space<vmem>> -> memref<1x2048xf32, #tpu.memory_space<vmem>>
      %dma_start3A_97 = arith.constant 0 : i32
      %dma_start3A_98 = tpu.memref_slice %arg4[%add3A_94, %dma_start3A_97] : memref<16384x2048xf32, #tpu.memory_space<hbm>> -> memref<1x2048xf32, #tpu.memory_space<hbm>>
      %dma_start3A_99 = arith.constant 0 : i32
      %dma_start3A_100 = tpu.memref_slice %arg4[%add3A_94, %dma_start3A_99] : memref<16384x2048xf32, #tpu.memory_space<hbm>> -> memref<1x2048xf32, #tpu.memory_space<hbm>>
      %dma_start3A_101 = arith.constant 0 : i32
      %dma_start3A_102 = tpu.memref_slice %arg5[%squeeze3A_93, %dma_start3A_101] : memref<3x2048xf32, #tpu.memory_space<vmem>> -> memref<1x2048xf32, #tpu.memory_space<vmem>>
      tpu.enqueue_dma source(%dma_start3A_102 : memref<1x2048xf32, #tpu.memory_space<vmem>>) target(%dma_start3A_100 : memref<1x2048xf32, #tpu.memory_space<hbm>>) target_semaphore(%arg8 : memref<!tpu.dma_semaphore, #tpu.memory_space<semaphore_mem>>)
      %mul3A_103 = arith.constant 16 : i32
      %mul3A_104 = arith.muli %scan3A_11, %mul3A_103 : i32
      %add3A_105 = arith.constant 6 : i32
      %add3A_106 = arith.addi %mul3A_104, %add3A_105 : i32
      %slice3A_107 = vector.extract_strided_slice %get3A_15 {offsets = [6], sizes = [1], strides = [1]} : vector<16xi32> to vector<1xi32>
      %squeeze3A_108 = vector.extract %slice3A_107[0] : i32 from vector<1xi32>
      %add3A_109 = arith.addi %mul3A_2, %add3A_106 : i32
      %dma_start3A_110 = arith.constant 0 : i32
      %dma_start3A_111 = tpu.memref_slice %arg5[%squeeze3A_108, %dma_start3A_110] : memref<3x2048xf32, #tpu.memory_space<vmem>> -> memref<1x2048xf32, #tpu.memory_space<vmem>>
      %dma_start3A_112 = arith.constant 0 : i32
      %dma_start3A_113 = tpu.memref_slice %arg4[%add3A_109, %dma_start3A_112] : memref<16384x2048xf32, #tpu.memory_space<hbm>> -> memref<1x2048xf32, #tpu.memory_space<hbm>>
      %dma_start3A_114 = arith.constant 0 : i32
      %dma_start3A_115 = tpu.memref_slice %arg4[%add3A_109, %dma_start3A_114] : memref<16384x2048xf32, #tpu.memory_space<hbm>> -> memref<1x2048xf32, #tpu.memory_space<hbm>>
      %dma_start3A_116 = arith.constant 0 : i32
      %dma_start3A_117 = tpu.memref_slice %arg5[%squeeze3A_108, %dma_start3A_116] : memref<3x2048xf32, #tpu.memory_space<vmem>> -> memref<1x2048xf32, #tpu.memory_space<vmem>>
      tpu.enqueue_dma source(%dma_start3A_117 : memref<1x2048xf32, #tpu.memory_space<vmem>>) target(%dma_start3A_115 : memref<1x2048xf32, #tpu.memory_space<hbm>>) target_semaphore(%arg8 : memref<!tpu.dma_semaphore, #tpu.memory_space<semaphore_mem>>)
      %mul3A_118 = arith.constant 16 : i32
      %mul3A_119 = arith.muli %scan3A_11, %mul3A_118 : i32
      %add3A_120 = arith.constant 7 : i32
      %add3A_121 = arith.addi %mul3A_119, %add3A_120 : i32
      %slice3A_122 = vector.extract_strided_slice %get3A_15 {offsets = [7], sizes = [1], strides = [1]} : vector<16xi32> to vector<1xi32>
      %squeeze3A_123 = vector.extract %slice3A_122[0] : i32 from vector<1xi32>
      %add3A_124 = arith.addi %mul3A_2, %add3A_121 : i32
      %dma_start3A_125 = arith.constant 0 : i32
      %dma_start3A_126 = tpu.memref_slice %arg5[%squeeze3A_123, %dma_start3A_125] : memref<3x2048xf32, #tpu.memory_space<vmem>> -> memref<1x2048xf32, #tpu.memory_space<vmem>>
      %dma_start3A_127 = arith.constant 0 : i32
      %dma_start3A_128 = tpu.memref_slice %arg4[%add3A_124, %dma_start3A_127] : memref<16384x2048xf32, #tpu.memory_space<hbm>> -> memref<1x2048xf32, #tpu.memory_space<hbm>>
      %dma_start3A_129 = arith.constant 0 : i32
      %dma_start3A_130 = tpu.memref_slice %arg4[%add3A_124, %dma_start3A_129] : memref<16384x2048xf32, #tpu.memory_space<hbm>> -> memref<1x2048xf32, #tpu.memory_space<hbm>>
      %dma_start3A_131 = arith.constant 0 : i32
      %dma_start3A_132 = tpu.memref_slice %arg5[%squeeze3A_123, %dma_start3A_131] : memref<3x2048xf32, #tpu.memory_space<vmem>> -> memref<1x2048xf32, #tpu.memory_space<vmem>>
      tpu.enqueue_dma source(%dma_start3A_132 : memref<1x2048xf32, #tpu.memory_space<vmem>>) target(%dma_start3A_130 : memref<1x2048xf32, #tpu.memory_space<hbm>>) target_semaphore(%arg8 : memref<!tpu.dma_semaphore, #tpu.memory_space<semaphore_mem>>)
      %mul3A_133 = arith.constant 16 : i32
      %mul3A_134 = arith.muli %scan3A_11, %mul3A_133 : i32
      %add3A_135 = arith.constant 8 : i32
      %add3A_136 = arith.addi %mul3A_134, %add3A_135 : i32
      %slice3A_137 = vector.extract_strided_slice %get3A_15 {offsets = [8], sizes = [1], strides = [1]} : vector<16xi32> to vector<1xi32>
      %squeeze3A_138 = vector.extract %slice3A_137[0] : i32 from vector<1xi32>
      %add3A_139 = arith.addi %mul3A_2, %add3A_136 : i32
      %dma_start3A_140 = arith.constant 0 : i32
      %dma_start3A_141 = tpu.memref_slice %arg5[%squeeze3A_138, %dma_start3A_140] : memref<3x2048xf32, #tpu.memory_space<vmem>> -> memref<1x2048xf32, #tpu.memory_space<vmem>>
      %dma_start3A_142 = arith.constant 0 : i32
      %dma_start3A_143 = tpu.memref_slice %arg4[%add3A_139, %dma_start3A_142] : memref<16384x2048xf32, #tpu.memory_space<hbm>> -> memref<1x2048xf32, #tpu.memory_space<hbm>>
      %dma_start3A_144 = arith.constant 0 : i32
      %dma_start3A_145 = tpu.memref_slice %arg4[%add3A_139, %dma_start3A_144] : memref<16384x2048xf32, #tpu.memory_space<hbm>> -> memref<1x2048xf32, #tpu.memory_space<hbm>>
      %dma_start3A_146 = arith.constant 0 : i32
      %dma_start3A_147 = tpu.memref_slice %arg5[%squeeze3A_138, %dma_start3A_146] : memref<3x2048xf32, #tpu.memory_space<vmem>> -> memref<1x2048xf32, #tpu.memory_space<vmem>>
      tpu.enqueue_dma source(%dma_start3A_147 : memref<1x2048xf32, #tpu.memory_space<vmem>>) target(%dma_start3A_145 : memref<1x2048xf32, #tpu.memory_space<hbm>>) target_semaphore(%arg8 : memref<!tpu.dma_semaphore, #tpu.memory_space<semaphore_mem>>)
      %mul3A_148 = arith.constant 16 : i32
      %mul3A_149 = arith.muli %scan3A_11, %mul3A_148 : i32
      %add3A_150 = arith.constant 9 : i32
      %add3A_151 = arith.addi %mul3A_149, %add3A_150 : i32
      %slice3A_152 = vector.extract_strided_slice %get3A_15 {offsets = [9], sizes = [1], strides = [1]} : vector<16xi32> to vector<1xi32>
      %squeeze3A_153 = vector.extract %slice3A_152[0] : i32 from vector<1xi32>
      %add3A_154 = arith.addi %mul3A_2, %add3A_151 : i32
      %dma_start3A_155 = arith.constant 0 : i32
      %dma_start3A_156 = tpu.memref_slice %arg5[%squeeze3A_153, %dma_start3A_155] : memref<3x2048xf32, #tpu.memory_space<vmem>> -> memref<1x2048xf32, #tpu.memory_space<vmem>>
      %dma_start3A_157 = arith.constant 0 : i32
      %dma_start3A_158 = tpu.memref_slice %arg4[%add3A_154, %dma_start3A_157] : memref<16384x2048xf32, #tpu.memory_space<hbm>> -> memref<1x2048xf32, #tpu.memory_space<hbm>>
      %dma_start3A_159 = arith.constant 0 : i32
      %dma_start3A_160 = tpu.memref_slice %arg4[%add3A_154, %dma_start3A_159] : memref<16384x2048xf32, #tpu.memory_space<hbm>> -> memref<1x2048xf32, #tpu.memory_space<hbm>>
      %dma_start3A_161 = arith.constant 0 : i32
      %dma_start3A_162 = tpu.memref_slice %arg5[%squeeze3A_153, %dma_start3A_161] : memref<3x2048xf32, #tpu.memory_space<vmem>> -> memref<1x2048xf32, #tpu.memory_space<vmem>>
      tpu.enqueue_dma source(%dma_start3A_162 : memref<1x2048xf32, #tpu.memory_space<vmem>>) target(%dma_start3A_160 : memref<1x2048xf32, #tpu.memory_space<hbm>>) target_semaphore(%arg8 : memref<!tpu.dma_semaphore, #tpu.memory_space<semaphore_mem>>)
      %mul3A_163 = arith.constant 16 : i32
      %mul3A_164 = arith.muli %scan3A_11, %mul3A_163 : i32
      %add3A_165 = arith.constant 10 : i32
      %add3A_166 = arith.addi %mul3A_164, %add3A_165 : i32
      %slice3A_167 = vector.extract_strided_slice %get3A_15 {offsets = [10], sizes = [1], strides = [1]} : vector<16xi32> to vector<1xi32>
      %squeeze3A_168 = vector.extract %slice3A_167[0] : i32 from vector<1xi32>
      %add3A_169 = arith.addi %mul3A_2, %add3A_166 : i32
      %dma_start3A_170 = arith.constant 0 : i32
      %dma_start3A_171 = tpu.memref_slice %arg5[%squeeze3A_168, %dma_start3A_170] : memref<3x2048xf32, #tpu.memory_space<vmem>> -> memref<1x2048xf32, #tpu.memory_space<vmem>>
      %dma_start3A_172 = arith.constant 0 : i32
      %dma_start3A_173 = tpu.memref_slice %arg4[%add3A_169, %dma_start3A_172] : memref<16384x2048xf32, #tpu.memory_space<hbm>> -> memref<1x2048xf32, #tpu.memory_space<hbm>>
      %dma_start3A_174 = arith.constant 0 : i32
      %dma_start3A_175 = tpu.memref_slice %arg4[%add3A_169, %dma_start3A_174] : memref<16384x2048xf32, #tpu.memory_space<hbm>> -> memref<1x2048xf32, #tpu.memory_space<hbm>>
      %dma_start3A_176 = arith.constant 0 : i32
      %dma_start3A_177 = tpu.memref_slice %arg5[%squeeze3A_168, %dma_start3A_176] : memref<3x2048xf32, #tpu.memory_space<vmem>> -> memref<1x2048xf32, #tpu.memory_space<vmem>>
      tpu.enqueue_dma source(%dma_start3A_177 : memref<1x2048xf32, #tpu.memory_space<vmem>>) target(%dma_start3A_175 : memref<1x2048xf32, #tpu.memory_space<hbm>>) target_semaphore(%arg8 : memref<!tpu.dma_semaphore, #tpu.memory_space<semaphore_mem>>)
      %mul3A_178 = arith.constant 16 : i32
      %mul3A_179 = arith.muli %scan3A_11, %mul3A_178 : i32
      %add3A_180 = arith.constant 11 : i32
      %add3A_181 = arith.addi %mul3A_179, %add3A_180 : i32
      %slice3A_182 = vector.extract_strided_slice %get3A_15 {offsets = [11], sizes = [1], strides = [1]} : vector<16xi32> to vector<1xi32>
      %squeeze3A_183 = vector.extract %slice3A_182[0] : i32 from vector<1xi32>
      %add3A_184 = arith.addi %mul3A_2, %add3A_181 : i32
      %dma_start3A_185 = arith.constant 0 : i32
      %dma_start3A_186 = tpu.memref_slice %arg5[%squeeze3A_183, %dma_start3A_185] : memref<3x2048xf32, #tpu.memory_space<vmem>> -> memref<1x2048xf32, #tpu.memory_space<vmem>>
      %dma_start3A_187 = arith.constant 0 : i32
      %dma_start3A_188 = tpu.memref_slice %arg4[%add3A_184, %dma_start3A_187] : memref<16384x2048xf32, #tpu.memory_space<hbm>> -> memref<1x2048xf32, #tpu.memory_space<hbm>>
      %dma_start3A_189 = arith.constant 0 : i32
      %dma_start3A_190 = tpu.memref_slice %arg4[%add3A_184, %dma_start3A_189] : memref<16384x2048xf32, #tpu.memory_space<hbm>> -> memref<1x2048xf32, #tpu.memory_space<hbm>>
      %dma_start3A_191 = arith.constant 0 : i32
      %dma_start3A_192 = tpu.memref_slice %arg5[%squeeze3A_183, %dma_start3A_191] : memref<3x2048xf32, #tpu.memory_space<vmem>> -> memref<1x2048xf32, #tpu.memory_space<vmem>>
      tpu.enqueue_dma source(%dma_start3A_192 : memref<1x2048xf32, #tpu.memory_space<vmem>>) target(%dma_start3A_190 : memref<1x2048xf32, #tpu.memory_space<hbm>>) target_semaphore(%arg8 : memref<!tpu.dma_semaphore, #tpu.memory_space<semaphore_mem>>)
      %mul3A_193 = arith.constant 16 : i32
      %mul3A_194 = arith.muli %scan3A_11, %mul3A_193 : i32
      %add3A_195 = arith.constant 12 : i32
      %add3A_196 = arith.addi %mul3A_194, %add3A_195 : i32
      %slice3A_197 = vector.extract_strided_slice %get3A_15 {offsets = [12], sizes = [1], strides = [1]} : vector<16xi32> to vector<1xi32>
      %squeeze3A_198 = vector.extract %slice3A_197[0] : i32 from vector<1xi32>
      %add3A_199 = arith.addi %mul3A_2, %add3A_196 : i32
      %dma_start3A_200 = arith.constant 0 : i32
      %dma_start3A_201 = tpu.memref_slice %arg5[%squeeze3A_198, %dma_start3A_200] : memref<3x2048xf32, #tpu.memory_space<vmem>> -> memref<1x2048xf32, #tpu.memory_space<vmem>>
      %dma_start3A_202 = arith.constant 0 : i32
      %dma_start3A_203 = tpu.memref_slice %arg4[%add3A_199, %dma_start3A_202] : memref<16384x2048xf32, #tpu.memory_space<hbm>> -> memref<1x2048xf32, #tpu.memory_space<hbm>>
      %dma_start3A_204 = arith.constant 0 : i32
      %dma_start3A_205 = tpu.memref_slice %arg4[%add3A_199, %dma_start3A_204] : memref<16384x2048xf32, #tpu.memory_space<hbm>> -> memref<1x2048xf32, #tpu.memory_space<hbm>>
      %dma_start3A_206 = arith.constant 0 : i32
      %dma_start3A_207 = tpu.memref_slice %arg5[%squeeze3A_198, %dma_start3A_206] : memref<3x2048xf32, #tpu.memory_space<vmem>> -> memref<1x2048xf32, #tpu.memory_space<vmem>>
      tpu.enqueue_dma source(%dma_start3A_207 : memref<1x2048xf32, #tpu.memory_space<vmem>>) target(%dma_start3A_205 : memref<1x2048xf32, #tpu.memory_space<hbm>>) target_semaphore(%arg8 : memref<!tpu.dma_semaphore, #tpu.memory_space<semaphore_mem>>)
      %mul3A_208 = arith.constant 16 : i32
      %mul3A_209 = arith.muli %scan3A_11, %mul3A_208 : i32
      %add3A_210 = arith.constant 13 : i32
      %add3A_211 = arith.addi %mul3A_209, %add3A_210 : i32
      %slice3A_212 = vector.extract_strided_slice %get3A_15 {offsets = [13], sizes = [1], strides = [1]} : vector<16xi32> to vector<1xi32>
      %squeeze3A_213 = vector.extract %slice3A_212[0] : i32 from vector<1xi32>
      %add3A_214 = arith.addi %mul3A_2, %add3A_211 : i32
      %dma_start3A_215 = arith.constant 0 : i32
      %dma_start3A_216 = tpu.memref_slice %arg5[%squeeze3A_213, %dma_start3A_215] : memref<3x2048xf32, #tpu.memory_space<vmem>> -> memref<1x2048xf32, #tpu.memory_space<vmem>>
      %dma_start3A_217 = arith.constant 0 : i32
      %dma_start3A_218 = tpu.memref_slice %arg4[%add3A_214, %dma_start3A_217] : memref<16384x2048xf32, #tpu.memory_space<hbm>> -> memref<1x2048xf32, #tpu.memory_space<hbm>>
      %dma_start3A_219 = arith.constant 0 : i32
      %dma_start3A_220 = tpu.memref_slice %arg4[%add3A_214, %dma_start3A_219] : memref<16384x2048xf32, #tpu.memory_space<hbm>> -> memref<1x2048xf32, #tpu.memory_space<hbm>>
      %dma_start3A_221 = arith.constant 0 : i32
      %dma_start3A_222 = tpu.memref_slice %arg5[%squeeze3A_213, %dma_start3A_221] : memref<3x2048xf32, #tpu.memory_space<vmem>> -> memref<1x2048xf32, #tpu.memory_space<vmem>>
      tpu.enqueue_dma source(%dma_start3A_222 : memref<1x2048xf32, #tpu.memory_space<vmem>>) target(%dma_start3A_220 : memref<1x2048xf32, #tpu.memory_space<hbm>>) target_semaphore(%arg8 : memref<!tpu.dma_semaphore, #tpu.memory_space<semaphore_mem>>)
      %mul3A_223 = arith.constant 16 : i32
      %mul3A_224 = arith.muli %scan3A_11, %mul3A_223 : i32
      %add3A_225 = arith.constant 14 : i32
      %add3A_226 = arith.addi %mul3A_224, %add3A_225 : i32
      %slice3A_227 = vector.extract_strided_slice %get3A_15 {offsets = [14], sizes = [1], strides = [1]} : vector<16xi32> to vector<1xi32>
      %squeeze3A_228 = vector.extract %slice3A_227[0] : i32 from vector<1xi32>
      %add3A_229 = arith.addi %mul3A_2, %add3A_226 : i32
      %dma_start3A_230 = arith.constant 0 : i32
      %dma_start3A_231 = tpu.memref_slice %arg5[%squeeze3A_228, %dma_start3A_230] : memref<3x2048xf32, #tpu.memory_space<vmem>> -> memref<1x2048xf32, #tpu.memory_space<vmem>>
      %dma_start3A_232 = arith.constant 0 : i32
      %dma_start3A_233 = tpu.memref_slice %arg4[%add3A_229, %dma_start3A_232] : memref<16384x2048xf32, #tpu.memory_space<hbm>> -> memref<1x2048xf32, #tpu.memory_space<hbm>>
      %dma_start3A_234 = arith.constant 0 : i32
      %dma_start3A_235 = tpu.memref_slice %arg4[%add3A_229, %dma_start3A_234] : memref<16384x2048xf32, #tpu.memory_space<hbm>> -> memref<1x2048xf32, #tpu.memory_space<hbm>>
      %dma_start3A_236 = arith.constant 0 : i32
      %dma_start3A_237 = tpu.memref_slice %arg5[%squeeze3A_228, %dma_start3A_236] : memref<3x2048xf32, #tpu.memory_space<vmem>> -> memref<1x2048xf32, #tpu.memory_space<vmem>>
      tpu.enqueue_dma source(%dma_start3A_237 : memref<1x2048xf32, #tpu.memory_space<vmem>>) target(%dma_start3A_235 : memref<1x2048xf32, #tpu.memory_space<hbm>>) target_semaphore(%arg8 : memref<!tpu.dma_semaphore, #tpu.memory_space<semaphore_mem>>)
      %mul3A_238 = arith.constant 16 : i32
      %mul3A_239 = arith.muli %scan3A_11, %mul3A_238 : i32
      %add3A_240 = arith.constant 15 : i32
      %add3A_241 = arith.addi %mul3A_239, %add3A_240 : i32
      %slice3A_242 = vector.extract_strided_slice %get3A_15 {offsets = [15], sizes = [1], strides = [1]} : vector<16xi32> to vector<1xi32>
      %squeeze3A_243 = vector.extract %slice3A_242[0] : i32 from vector<1xi32>
      %add3A_244 = arith.addi %mul3A_2, %add3A_241 : i32
      %dma_start3A_245 = arith.constant 0 : i32
      %dma_start3A_246 = tpu.memref_slice %arg5[%squeeze3A_243, %dma_start3A_245] : memref<3x2048xf32, #tpu.memory_space<vmem>> -> memref<1x2048xf32, #tpu.memory_space<vmem>>
      %dma_start3A_247 = arith.constant 0 : i32
      %dma_start3A_248 = tpu.memref_slice %arg4[%add3A_244, %dma_start3A_247] : memref<16384x2048xf32, #tpu.memory_space<hbm>> -> memref<1x2048xf32, #tpu.memory_space<hbm>>
      %dma_start3A_249 = arith.constant 0 : i32
      %dma_start3A_250 = tpu.memref_slice %arg4[%add3A_244, %dma_start3A_249] : memref<16384x2048xf32, #tpu.memory_space<hbm>> -> memref<1x2048xf32, #tpu.memory_space<hbm>>
      %dma_start3A_251 = arith.constant 0 : i32
      %dma_start3A_252 = tpu.memref_slice %arg5[%squeeze3A_243, %dma_start3A_251] : memref<3x2048xf32, #tpu.memory_space<vmem>> -> memref<1x2048xf32, #tpu.memory_space<vmem>>
      tpu.enqueue_dma source(%dma_start3A_252 : memref<1x2048xf32, #tpu.memory_space<vmem>>) target(%dma_start3A_250 : memref<1x2048xf32, #tpu.memory_space<hbm>>) target_semaphore(%arg8 : memref<!tpu.dma_semaphore, #tpu.memory_space<semaphore_mem>>)
      %gt3A = arith.constant 0 : i32
      %gt3A_253 = arith.cmpi sgt, %scan3A_11, %gt3A : i32
      %convert_element_type3A = arith.extui %gt3A_253 : i1 to i32
      %cond3A = arith.constant 0 : i32
      %cond3A_254 = arith.cmpi ne, %convert_element_type3A, %cond3A : i32
      scf.if %cond3A_254 {
        %dma_wait3A_255 = arith.constant 0 : i32
        %dma_wait3A_256 = tpu.memref_slice %arg4[%mul3A_2, %dma_wait3A_255] : memref<16384x2048xf32, #tpu.memory_space<hbm>> -> memref<16x2048xf32, #tpu.memory_space<hbm>>
        %dma_wait3A_257 = arith.constant 0 : i32
        %dma_wait3A_258 = tpu.memref_slice %arg4[%mul3A_2, %dma_wait3A_257] : memref<16384x2048xf32, #tpu.memory_space<hbm>> -> memref<16x2048xf32, #tpu.memory_space<hbm>>
        tpu.wait_dma2 semaphore(%arg8 : memref<!tpu.dma_semaphore, #tpu.memory_space<semaphore_mem>>) src(%dma_wait3A_258 : memref<16x2048xf32, #tpu.memory_space<hbm>>) dst(%arg7 : memref<16x2048xf32, #tpu.memory_space<vmem>>)
      } else {
      }
    }
    %scan3A_7 = arith.constant 32 : i32
    %dma_wait3A = arith.constant 0 : i32
    %dma_wait3A_8 = tpu.memref_slice %arg4[%mul3A_2, %dma_wait3A] : memref<16384x2048xf32, #tpu.memory_space<hbm>> -> memref<16x2048xf32, #tpu.memory_space<hbm>>
    %dma_wait3A_9 = arith.constant 0 : i32
    %dma_wait3A_10 = tpu.memref_slice %arg4[%mul3A_2, %dma_wait3A_9] : memref<16384x2048xf32, #tpu.memory_space<hbm>> -> memref<16x2048xf32, #tpu.memory_space<hbm>>
    tpu.wait_dma2 semaphore(%arg8 : memref<!tpu.dma_semaphore, #tpu.memory_space<semaphore_mem>>) src(%dma_wait3A_10 : memref<16x2048xf32, #tpu.memory_space<hbm>>) dst(%arg7 : memref<16x2048xf32, #tpu.memory_space<vmem>>)
    return
  }
}

module attributes {stable_mosaic.version = 14 : i64} {
  func.func @_ln_table_body(%arg0: memref<3x2048xf32, #tpu.memory_space<vmem>>, %arg1: memref<1x2048xf32, #tpu.memory_space<vmem>>, %arg2: memref<1x2048xf32, #tpu.memory_space<vmem>>, %arg3: memref<3x2048xf32, #tpu.memory_space<vmem>>) attributes {dimension_semantics = [], scalar_prefetch = 0 : i64, scratch_operands = 0 : i64, tpu.core_type = #tpu.core_type<tc>} {
    %get3A = arith.constant 0 : index
    %get3A_0 = arith.constant 0 : index
    %get3A_1 = vector.load %arg0[%get3A, %get3A_0] : memref<3x2048xf32, #tpu.memory_space<vmem>>, vector<3x2048xf32>
    %reduce_sum3A = arith.constant dense<0.000000e+00> : vector<3xf32>
    %reduce_sum3A_2 = vector.multi_reduction <add>, %get3A_1, %reduce_sum3A [1] : vector<3x2048xf32> to vector<3xf32>
    %broadcast_in_dim3A = vector.shape_cast %reduce_sum3A_2 : vector<3xf32> to vector<3x1xf32>
    %div3A = arith.constant 2.048000e+03 : f32
    %div3A_3 = vector.broadcast %div3A : f32 to vector<3x1xf32>
    %div3A_4 = arith.divf %broadcast_in_dim3A, %div3A_3 : vector<3x1xf32>
    %sub3A = vector.broadcast %div3A_4 : vector<3x1xf32> to vector<3x2048xf32>
    %sub3A_5 = arith.subf %get3A_1, %sub3A : vector<3x2048xf32>
    %square3A = arith.mulf %sub3A_5, %sub3A_5 : vector<3x2048xf32>
    %reduce_sum3A_6 = arith.constant dense<0.000000e+00> : vector<3xf32>
    %reduce_sum3A_7 = vector.multi_reduction <add>, %square3A, %reduce_sum3A_6 [1] : vector<3x2048xf32> to vector<3xf32>
    %broadcast_in_dim3A_8 = vector.shape_cast %reduce_sum3A_7 : vector<3xf32> to vector<3x1xf32>
    %div3A_9 = arith.constant 2.048000e+03 : f32
    %div3A_10 = vector.broadcast %div3A_9 : f32 to vector<3x1xf32>
    %div3A_11 = arith.divf %broadcast_in_dim3A_8, %div3A_10 : vector<3x1xf32>
    %sub3A_12 = vector.broadcast %div3A_4 : vector<3x1xf32> to vector<3x2048xf32>
    %sub3A_13 = arith.subf %get3A_1, %sub3A_12 : vector<3x2048xf32>
    %add3A = arith.constant 9.99999974E-6 : f32
    %add3A_14 = vector.broadcast %add3A : f32 to vector<3x1xf32>
    %add3A_15 = arith.addf %div3A_11, %add3A_14 : vector<3x1xf32>
    %rsqrt3A = math.rsqrt %add3A_15 : vector<3x1xf32>
    %mul3A = vector.broadcast %rsqrt3A : vector<3x1xf32> to vector<3x2048xf32>
    %mul3A_16 = arith.mulf %sub3A_13, %mul3A : vector<3x2048xf32>
    %get3A_17 = arith.constant 0 : index
    %get3A_18 = arith.constant 0 : index
    %get3A_19 = vector.load %arg1[%get3A_17, %get3A_18] : memref<1x2048xf32, #tpu.memory_space<vmem>>, vector<1x2048xf32>
    %mul3A_20 = vector.broadcast %get3A_19 : vector<1x2048xf32> to vector<3x2048xf32>
    %mul3A_21 = arith.mulf %mul3A_16, %mul3A_20 : vector<3x2048xf32>
    %get3A_22 = arith.constant 0 : index
    %get3A_23 = arith.constant 0 : index
    %get3A_24 = vector.load %arg2[%get3A_22, %get3A_23] : memref<1x2048xf32, #tpu.memory_space<vmem>>, vector<1x2048xf32>
    %add3A_25 = vector.broadcast %get3A_24 : vector<1x2048xf32> to vector<3x2048xf32>
    %add3A_26 = arith.addf %mul3A_21, %add3A_25 : vector<3x2048xf32>
    %swap3A = arith.constant 0 : index
    %swap3A_27 = arith.constant 0 : index
    %swap3A_28 = vector.load %arg3[%swap3A, %swap3A_27] : memref<3x2048xf32, #tpu.memory_space<vmem>>, vector<3x2048xf32>
    tpu.vector_store %arg3[%swap3A, %swap3A_27], %add3A_26 {strides = array<i32>} : memref<3x2048xf32, #tpu.memory_space<vmem>>, vector<3x2048xf32>,
    return
  }
}

</mosaic_0001>

<sc_bundles>
// kernel: kernel.4.cloned.1.call-start
scs
__scs_entry_jumppad:
0x0: {  	(pc) =	sbr.rel $0x88, $3  }
0x1: {  	(tag) =	ssettag $0x0;
	lr =	simm.s32 $0x1  }
0x2: {  	[smem:$0x3F9D] =	sst lr;
	_ =	strace $0xD0000000  }
0x3: {  	_ = 	snop  }
0x4: {  	_ = 	snop  }
0x5: {  	_ = 	snop  }
0x6: {  	_ = 	snop  }
0x7: {  	_ = 	snop  }
__scs_overlays_trampoline_lowered:
0x8: {  	[smem:$0x3FAC] =	sst s0  }
0x9: {  	[smem:$0x3FAD] =	sst s1  }
0xa: {  	[smem:$0x3FAE] =	sst s2  }
0xb: {  	[smem:$0x3FAF] =	sst s3  }
0xc: {  	[smem:$0x3FB0] =	sst s4  }
0xd: {  	[smem:$0x3FB1] =	sst s5  }
0xe: {  	[smem:$0x3FB2] =	sst s6  }
0xf: {  	[smem:$0x3FB3] =	sst s7  }
0x10: {  	[smem:$0x3FB4] =	sst s8  }
0x11: {  	[smem:$0x3FB5] =	sst s9;
	s0 =	simm.s32 @!p0 $0x0  }
0x12: {  	s1 =	sld [smem:$0x3F9B];
	s0 =	simm.s32 @p0 $0x1  }
0x13: {  	[smem:$0x3FB6] =	sst s0;
	s0 =	simm.s32 @!p1 $0x0  }
0x14: {  	s2 =	sld [smem:$0x3F9A];
	s0 =	simm.s32 @p1 $0x1  }
0x15: {  	[smem:$0x3FB7] =	sst s0;
	s0 =	simm.s32 @!p2 $0x0  }
0x16: {  	s3 =	sld [smem:$0x3FDB];
	s0 =	simm.s32 @p2 $0x1  }
0x17: {  	s4 =	simm.s32 $0x1BF5;
	[smem:$0x3FB9] =	sst s0  }
0x18: {  	s0 =	sld [smem:$0x3F9C];
	_ =	swait.ge [sflag:s4], $0x0  }
0x19: {  	s7 =	sld [smem:$0x3F9D]  }
0x1a: {  	s8 =	sadd.s32 $0xFFFFE003, lr  }
0x1b: {  	s9 =	sadd.s32 $0xFFFFFEF7, lr;
	s5 =	simm.s32 $0xFFFFFFFF;
	p2 =	slt.u32 s8, $0xFFFFF086  }
0x1c: {  	p1 =	slt.u32 s9, $0xF7A;
	s5 =	simm.s32 @!p2 $0x0  }
0x1d: {  	s5 =	simm.s32 @p1 $0x1;
	p0 =	seq.s32 s7, s2  }
0x1e: {  	s7 =	smul.u32 @!p0 $0xF7A, s2;
	p2 =	seq.s32 @!p0 s5, $0x0  }
0x1f: {  	s9 =	smul.u32 $0xF7A, s1;
	s8 =	simm.s32 @!p0 $0x1BF5;
	p2 =	por !p2, p0  }
0x20: {  	[sflag:s8] =	ssyncset.s32 @!p0 $0xFFFFF086;
	s6 =	sadd.s32 @!p0 s3, s7;
	s7 =	simm.s32 @!p0 $0x108  }
0x21: {  	s3 =	sadd.s32 s3, s9;
	s6 =	sadd.s32 @!p0 $0x88, s6;
	s7 =	simm.s32 @p2 $0x1082  }
0x22: {  	[simem:s7], [sflag:s8] =	dma.local @!p0 [hbm:s6], $0xF7A  }
0x23: {  	s9 =	sor.u32 $0xD0000000, s2;
	s6 =	simm.s32 $0x108;
	_ =	swait.ge @!p0 [sflag:s8], $0x0  }
0x24: {  	s3 =	sadd.s32 $0x88, s3;
	s6 =	simm.s32 @!p1 $0x1082;
	[sflag:s4] =	ssyncset.s32 $0xFFFFF086  }
0x25: {  	[simem:s6], [sflag:s4] =	dma.local [hbm:s3], $0xF7A  }
0x26: {  	[smem:$0x3F9D] =	sst s1;
	(tag) =	ssettag s2;
	_ =	strace s9  }
0x27: {  	s1 =	sld [smem:$0x3FAD]  }
0x28: {  	s2 =	sld [smem:$0x3FAE]  }
0x29: {  	s4 =	sld [smem:$0x3FB0]  }
0x2a: {  	p0 =	seq.s32 s5, $0x0;
	s5 =	sld [smem:$0x3FB1]  }
0x2b: {  	s6 =	sld [smem:$0x3FB2]  }
0x2c: {  	s7 =	sld [smem:$0x3FB3]  }
0x2d: {  	s3 =	simm.s32 $0x108;
	s8 =	sld [smem:$0x3FB4]  }
0x2e: {  	s3 =	simm.s32 @!p0 $0x1082;
	s9 =	sld [smem:$0x3FB5]  }
0x2f: {  	lr =	sadd.s32 s0, s3;
	s0 =	sld [smem:$0x3FAC]  }
0x30: {  	s3 =	sld [smem:$0x3FAF]  }
0x31: {  	[smem:$0x3FB8] =	sst s10  }
0x32: {  	s10 =	sld [smem:$0x3FB6];
	_ =	sdelay $0x3  }
0x33: {  	p0 =	seq.s32 s10, $0x1;
	s10 =	sld [smem:$0x3FB8];
	_ =	sdelay $0x3  }
0x34: {  	[smem:$0x3FB8] =	sst s10  }
0x35: {  	s10 =	sld [smem:$0x3FB7];
	_ =	sdelay $0x3  }
0x36: {  	p1 =	seq.s32 s10, $0x1;
	s10 =	sld [smem:$0x3FB8];
	_ =	sdelay $0x3  }
0x37: {  	[smem:$0x3FB8] =	sst s10  }
0x38: {  	s10 =	sld [smem:$0x3FB9]  }
0x39: {  	_ = 	snop;
	(pc) =	sbr.ind lr, $3  }
0x3a: {  	_ = 	snop  }
0x3b: {  	_ = 	snop  }
0x3c: {  	p2 =	seq.s32 s10, $0x1;
	s10 =	sld [smem:$0x3FB8]  }
0x3d: {  	_ =	shalt  }
0x3e: {  	_ =	shalt  }
0x3f: {  	_ =	shalt  }
0x40: {  	_ =	shalt  }
0x41: {  	_ =	shalt  }
0x42: {  	_ =	shalt  }
0x43: {  	_ =	shalt  }
0x44: {  	_ =	shalt  }
0x45: {  	_ =	shalt  }
0x46: {  	_ =	shalt  }
0x47: {  	_ =	shalt  }
0x48: {  	_ =	shalt  }
0x49: {  	_ =	shalt  }
0x4a: {  	_ =	shalt  }
0x4b: {  	_ =	shalt  }
0x4c: {  	_ =	shalt  }
0x4d: {  	_ =	shalt  }
0x4e: {  	_ =	shalt  }
0x4f: {  	_ =	shalt  }
0x50: {  	_ =	shalt  }
0x51: {  	_ =	shalt  }
0x52: {  	_ =	shalt  }
0x53: {  	_ =	shalt  }
0x54: {  	_ =	shalt  }
0x55: {  	_ =	shalt  }
0x56: {  	_ =	shalt  }
0x57: {  	_ =	shalt  }
0x58: {  	_ =	shalt  }
0x59: {  	_ =	shalt  }
0x5a: {  	_ =	shalt  }
0x5b: {  	_ =	shalt  }
0x5c: {  	_ =	shalt  }
0x5d: {  	_ =	shalt  }
0x5e: {  	_ =	shalt  }
0x5f: {  	_ =	shalt  }
0x60: {  	_ =	shalt  }
0x61: {  	_ =	shalt  }
0x62: {  	_ =	shalt  }
0x63: {  	_ =	shalt  }
0x64: {  	_ =	shalt  }
0x65: {  	_ =	shalt  }
0x66: {  	_ =	shalt  }
0x67: {  	_ =	shalt  }
0x68: {  	_ =	shalt  }
0x69: {  	_ =	shalt  }
0x6a: {  	_ =	shalt  }
0x6b: {  	_ =	shalt  }
0x6c: {  	_ =	shalt  }
0x6d: {  	_ =	shalt  }
0x6e: {  	_ =	shalt  }
0x6f: {  	_ =	shalt  }
0x70: {  	_ =	shalt  }
0x71: {  	_ =	shalt  }
0x72: {  	_ =	shalt  }
0x73: {  	_ =	shalt  }
0x74: {  	_ =	shalt  }
0x75: {  	_ =	shalt  }
0x76: {  	_ =	shalt  }
0x77: {  	_ =	shalt  }
0x78: {  	_ =	shalt  }
0x79: {  	_ =	shalt  }
0x7a: {  	_ =	shalt  }
0x7b: {  	_ =	shalt  }
0x7c: {  	_ =	shalt  }
0x7d: {  	_ =	shalt  }
0x7e: {  	_ =	shalt  }
0x7f: {  	_ =	shalt  }
0x80: {  	_ =	shalt  }
0x81: {  	_ =	shalt  }
0x82: {  	_ =	shalt  }
0x83: {  	_ =	shalt  }
0x84: {  	_ =	shalt  }
0x85: {  	_ =	shalt  }
0x86: {  	_ =	shalt  }
0x87: {  	_ =	shalt  }
.Lfunc_end0:
.L_simem_size_0:
called_computation_lowered:
.L_overlay_start_0:
0x88: {  	s2 =	sld [smem:$0x3FD9]  }
0x89: {  	s3 =	sld [smem:$0x3FFE];
	_ =	sdelay $0x1  }
0x8a: {  	s1 =	srdreg.scid  }
0x8b: {  	s0 =	sand.u32 $0x1, s1  }
0x8c: {  	s17 =	sshll.u32 s0, $0xA;
	s2 =	sadd.s32 s3, s2  }
0x8d: {  	s2 =	sadd.s32 s2, s17  }
0x8e: {  	[smem:$0x3FC4] =	sst s2  }
0x8f: {  	_ = 	snop  }
0x90: {  	s2 =	sld [smem:$0x3FD0];
	(tm) =	ssettm $0x1  }
0x91: {  	s18 =	sld [smem:$0x3FFB];
	_ =	sdelay $0x3  }
0x92: {  	_ =	strace s18  }
0x93: {  	s3 =	sld [smem:$0x3FFC];
	_ =	sdelay $0x3  }
0x94: {  	_ =	strace s3  }
0x95: {  	s3 =	sld [smem:$0x3FFD];
	_ =	sdelay $0x3  }
0x96: {  	_ =	strace s3  }
0x97: {  	_ =	strace $0x8FFFFFFF  }
0x98: {  	s19 =	sld [smem:$0x3FDB];
	_ =	sdelay $0x1  }
0x99: {  	s4 =	simm.s32 $_scs_section_size  }
0x9a: {  	s5 =	simm.s32 $_size__tile_overlayer_lowered;
	s6 =	simm.s32 $_tile_overlayer_lowered  }
0x9b: {  	s22 =	simm.s32 $0x1BFF;
	s21 =	sshll.u32 s6, $0x1;
	s3 =	sadd.s32 s4, s19  }
0x9c: {  	s7 =	simm.s32 $0x0;
	s20 =	sshll.u32 s5, $0x1;
	s5 =	sadd.s32 s21, s3  }
0x9d: {  	[timem:s7], [sflag:s22] =	dma.local [hbm:s5], s20  }
0x9e: {  	_ =	swait.ge [sflag:s22], s20  }
0x9f: {  	s4 =	ssub.s32 $0x0, s20;
	[sflag:s22] =	ssyncset.done $0x0  }
0xa0: {  	[sflag:s22] =	ssyncadd.s32 s4;
	_ =	sdelay $0x1  }
0xa1: {  	s23 =	simm.s32 $0x1B8B  }
0xa2: {  	_ =	swait.ge [sflag:s23], $0x1  }
0xa3: {  	[sflag:s23] =	ssyncset.done $0x0  }
0xa4: {  	s25 =	simm.s32 $0x1B8E;
	s24 =	sld [smem:$0x3FFE];
	[sflag:s23] =	ssyncadd.s32 $0xFFFFFFFF  }
0xa5: {  	s26 =	simm.s32 $execute0_lowered;
	[smem:$0x3FD2] =	sst s25  }
0xa6: {  	s5 =	sshll.u32 s26, $0x1;
	_ =	strace $0x80000046;
	[dreg:$0x1] =	wrdreg $0xFFFFFFFF  }
0xa7: {  	s28 =	simm.s32 $_size_execute0_lowered;
	s3 =	sadd.s32 s3, s5;
	[dreg:$0x0] =	wrdreg $0x0  }
0xa8: {  	s5 =	sshll.u32 s28, $0x1;
	[dreg:$0x2] =	wrdreg s3  }
0xa9: {  	[dreg:$0x3] =	wrdreg s5  }
0xaa: {  	[dreg:$0x4] =	wrdreg $0xC0  }
0xab: {  	_ =	task [dreg:s7], $0x5FFFF  }
0xac: {  	[dreg:$0x1] =	wrdreg $0xFFFFFFFF  }
0xad: {  	[dreg:$0x0] =	wrdreg $0x60  }
0xae: {  	[dreg:$0x2] =	wrdreg s24  }
0xaf: {  	[dreg:$0x3] =	wrdreg s2  }
0xb0: {  	[dreg:$0x4] =	wrdreg $0x9  }
0xb1: {  	_ =	task.clear_ibuf [dreg:s7], $0x5FFFF;
	_ =	strace $0x90000046  }
0xb2: {  	s29 =	simm.s32 $0x9;
	_ =	strace $0x80000048  }
0xb3: {  	_ =	swait.ge [sflag:s29], $0x1  }
0xb4: {  	[sflag:s29] =	ssyncadd.s32 $0xFFFFFFFF  }
0xb5: {  	_ =	strace $0x90000048  }
0xb6: {  	_ =	sfence  }
0xb7: {  	s30 =	sld [smem:$0x0];
	_ =	sdelay $0x2  }
0xb8: {  	s31 =	sshll.u32 s1, $0xD;
	s1 =	sshrl.u32 s1, $0x2  }
0xb9: {  	s3 =	sand.u32 $0x4000, s31;
	s1 =	sadd.s32 s1, s30  }
0xba: {  	s0 =	sor.u32 s3, s0;
	s1 =	sshll.u32 s1, $0x11  }
0xbb: {  	s0 =	sor.u32 s1, s0  }
0xbc: {  	s0 =	sadd.s32 $0x8F2B, s0  }
0xbd: {  	[sflag:s0] =	ssyncadd.remote.s32 $0x1  }
0xbe: {  	_ =	sfence.sel $0xFFFF  }
0xbf: {  	[dreg:$0x0] =	wrdreg $0xFFFFFFFF;
	(pc) =	sbr.abs _section_cstart, $3  }
0xc0: {  	[dreg:$0x1] =	wrdreg $0xFFFFFFFF  }
0xc1: {  	_ =	task.clear_ibuf [dreg:s7], $0x2FFFF;
	_ =	strace $0x9FFFFFFF  }
0xc2: {  	(tm) =	ssettm $0x7FFFFFFF  }
0xc3: {  	_ =	shalt  }
tec
execute0_lowered:
.L_overlay_start_1:
0x0: {  	(tag) =	ssettag $0x1  }
0x1: {  	s3 =	rddreg [dreg:$0x0]  }
0x2: {  	s4 =	rddreg [dreg:$0x1]  }
0x3: {  	s2 =	srdreg.scid;
	s0 =	rddreg [dreg:$0x2]  }
0x4: {  	s1 =	stileid.u32;
	s5 =	sand.u32 $0x1, s2;
	s2 =	simm.s32 $0x0  }
0x5: {  	s6 =	sshll.u32 s1, $0xA;
	s8 =	sshll.u32 s1, $0x12;
	s7 =	sshll.u32 s5, $0x9  }
0x6: {  	[smem:$0x7FF] =	sst s2;
	s29 =	ssub.s32 $0x2, s5;
	s4 =	sadd.s32 s8, s4  }
0x7: {  	s5 =	sshll.u32 s5, $0x11;
	s8 =	simm.s32 $0x0;
	s6 =	sor.u32 s7, s6  }
0x8: {  	_ =	strace $0x80000047;
	s30 =	sshrl.u32 s29, $0x1;
	s31 =	sadd.s32 s5, s4  }
0x9: {  	s6 =	sshrl.u32 s6, $0x3;
	s7 =	ssub.s32 s29, s30;
	[dreg:$0x3] =	wrdreg s31  }
0xa: {  	s6 =	sadd.s32 s6, s3;
	s3 =	sadd.s32 $0x1400, s3;
	s5 =	smax.u32 s7, $0x1  }
0xb: {  	s7 =	simm.s32 $0x1;
	s4 =	sadd.s32 $0xC00, s6;
	s6 =	simm.s32 $0x2  }
.LBB2_1:
0xc: {  	[tilespmem:s2], [sflag:$0x2] =	stream.linear.gather [hbm4b:s3+s2], $0x2000, $0x38;
	[tilespmem:$0x2200] =	vst v63  }
0xd: {  	_ =	swait.ge [sflag:s6], $0x2000  }
0xe: {  	[sflag:s6] =	ssyncset.done $0x0  }
0xf: {  	s9 =	simm.s32 $0x2000;
	[sflag:s6] =	ssyncadd.s32 $0xFFFFE000  }
0x10: {  	[tilespmem:s9], [sflag:$0x2] =	stream.linear.gather [hbm4b:s4+s2], $0x200, $0x38;
	[tilespmem:$0x2200] =	vst v63  }
0x11: {  	_ =	swait.ge [sflag:s6], $0x200  }
0x12: {  	[sflag:s6] =	ssyncset.done $0x0  }
0x13: {  	[sflag:s6] =	ssyncadd.s32 $0xFFFFFE00  }
0x14: {  	v0 =	vld [tilespmem:s9+$0x0];
	_ =	sdelay $0x4  }
0x15: {  	(v2sf) =	vpush v0, $0x0;
	_ =	sdelay $0xe  }
0x16: {  	s11 =	spop (v2sf)  }
0x17: {  	s12 =	sshll.u32 s11, $0xB;
	s11 =	sshll.u32 s11, $0x7  }
0x18: {  	s10 =	rddreg [dreg:$0x3];
	s12 =	sand.u32 $0xFFFFE000, s12;
	s11 =	sand.u32 $0x180, s11  }
0x19: {  	s10 =	sadd.s32 $0x0, s10;
	s11 =	sor.u32 s11, s12  }
0x1a: {  	[hbm4b:s10+s2] =	stream.linear.scatter [tilespmem:s11], [sflag:$0x1], $0x80, $0x38;
	[tilespmem:$0x2200] =	vst v63  }
0x1b: {  	s13 =	sadd.s32 $0x80, s10;
	s12 =	sor.u32 $0x200, s11  }
0x1c: {  	[hbm4b:s13+s2] =	stream.linear.scatter [tilespmem:s12], [sflag:$0x1], $0x80, $0x38;
	[tilespmem:$0x2200] =	vst v63  }
0x1d: {  	s18 =	sadd.s32 $0x100, s10;
	s17 =	sor.u32 $0x400, s11  }
0x1e: {  	[hbm4b:s18+s2] =	stream.linear.scatter [tilespmem:s17], [sflag:$0x1], $0x80, $0x38;
	[tilespmem:$0x2200] =	vst v63  }
0x1f: {  	s20 =	sadd.s32 $0x180, s10;
	s19 =	sor.u32 $0x600, s11  }
0x20: {  	[hbm4b:s20+s2] =	stream.linear.scatter [tilespmem:s19], [sflag:$0x1], $0x80, $0x38;
	[tilespmem:$0x2200] =	vst v63  }
0x21: {  	s22 =	sadd.s32 $0x200, s10;
	s21 =	sor.u32 $0x800, s11  }
0x22: {  	[hbm4b:s22+s2] =	stream.linear.scatter [tilespmem:s21], [sflag:$0x1], $0x80, $0x38;
	[tilespmem:$0x2200] =	vst v63  }
0x23: {  	s24 =	sadd.s32 $0x280, s10;
	s23 =	sor.u32 $0xA00, s11  }
0x24: {  	(v2sf) =	vpush v0, $0x1;
	[hbm4b:s24+s2] =	stream.linear.scatter [tilespmem:s23], [sflag:$0x1], $0x80, $0x38;
	[tilespmem:$0x2200] =	vst v63  }
0x25: {  	s26 =	sadd.s32 $0x300, s10;
	s25 =	sor.u32 $0xC00, s11  }
0x26: {  	[hbm4b:s26+s2] =	stream.linear.scatter [tilespmem:s25], [sflag:$0x1], $0x80, $0x38;
	[tilespmem:$0x2200] =	vst v63  }
0x27: {  	s29 =	sadd.s32 $0x380, s10;
	s28 =	sor.u32 $0xE00, s11  }
0x28: {  	[hbm4b:s29+s2] =	stream.linear.scatter [tilespmem:s28], [sflag:$0x1], $0x80, $0x38;
	[tilespmem:$0x2200] =	vst v63  }
0x29: {  	s31 =	sadd.s32 $0x400, s10;
	s30 =	sor.u32 $0x1000, s11  }
0x2a: {  	[hbm4b:s31+s2] =	stream.linear.scatter [tilespmem:s30], [sflag:$0x1], $0x80, $0x38;
	[tilespmem:$0x2200] =	vst v63  }
0x2b: {  	s14 =	sadd.s32 $0x480, s10;
	s13 =	sor.u32 $0x1200, s11  }
0x2c: {  	[hbm4b:s14+s2] =	stream.linear.scatter [tilespmem:s13], [sflag:$0x1], $0x80, $0x38;
	[tilespmem:$0x2200] =	vst v63  }
0x2d: {  	s16 =	sadd.s32 $0x500, s10;
	s15 =	sor.u32 $0x1400, s11  }
0x2e: {  	[hbm4b:s16+s2] =	stream.linear.scatter [tilespmem:s15], [sflag:$0x1], $0x80, $0x38;
	[tilespmem:$0x2200] =	vst v63  }
0x2f: {  	s18 =	sor.u32 $0x1600, s11;
	s20 =	sor.u32 $0x1800, s11;
	s14 =	sadd.s32 $0x580, s10  }
0x30: {  	[hbm4b:s14+s2] =	stream.linear.scatter [tilespmem:s18], [sflag:$0x1], $0x80, $0x38;
	[tilespmem:$0x2200] =	vst v63  }
0x31: {  	s21 =	sor.u32 $0x1A00, s11;
	s22 =	sadd.s32 $0x680, s10;
	s15 =	sadd.s32 $0x600, s10  }
0x32: {  	[hbm4b:s15+s2] =	stream.linear.scatter [tilespmem:s20], [sflag:$0x1], $0x80, $0x38;
	[tilespmem:$0x2200] =	vst v63  }
0x33: {  	s23 =	sor.u32 $0x1C00, s11;
	s24 =	sadd.s32 $0x700, s10;
	s17 =	spop (v2sf)  }
0x34: {  	[hbm4b:s22+s2] =	stream.linear.scatter [tilespmem:s21], [sflag:$0x1], $0x80, $0x38;
	[tilespmem:$0x2200] =	vst v63  }
0x35: {  	s11 =	sor.u32 $0x1E00, s11;
	s19 =	sshll.u32 s17, $0xB;
	s12 =	sshll.u32 s17, $0x7  }
0x36: {  	[hbm4b:s24+s2] =	stream.linear.scatter [tilespmem:s23], [sflag:$0x1], $0x80, $0x38;
	[tilespmem:$0x2200] =	vst v63  }
0x37: {  	s25 =	sadd.s32 $0x780, s10;
	s12 =	sand.u32 $0x180, s12;
	s13 =	sand.u32 $0xFFFFE000, s19  }
0x38: {  	[hbm4b:s25+s2] =	stream.linear.scatter [tilespmem:s11], [sflag:$0x1], $0x80, $0x38;
	[tilespmem:$0x2200] =	vst v63  }
0x39: {  	s26 =	sadd.s32 $0x10, s10;
	s11 =	sor.u32 s12, s13  }
0x3a: {  	[hbm4b:s26+s2] =	stream.linear.scatter [tilespmem:s11], [sflag:$0x1], $0x80, $0x38;
	[tilespmem:$0x2200] =	vst v63  }
0x3b: {  	s29 =	sadd.s32 $0x90, s10;
	s28 =	sor.u32 $0x200, s11  }
0x3c: {  	[hbm4b:s29+s2] =	stream.linear.scatter [tilespmem:s28], [sflag:$0x1], $0x80, $0x38;
	[tilespmem:$0x2200] =	vst v63  }
0x3d: {  	s31 =	sadd.s32 $0x110, s10;
	s30 =	sor.u32 $0x400, s11  }
0x3e: {  	[hbm4b:s31+s2] =	stream.linear.scatter [tilespmem:s30], [sflag:$0x1], $0x80, $0x38;
	[tilespmem:$0x2200] =	vst v63  }
0x3f: {  	s15 =	sadd.s32 $0x190, s10;
	s14 =	sor.u32 $0x600, s11  }
0x40: {  	(v2sf) =	vpush v0, $0x2;
	[hbm4b:s15+s2] =	stream.linear.scatter [tilespmem:s14], [sflag:$0x1], $0x80, $0x38;
	[tilespmem:$0x2200] =	vst v63  }
0x41: {  	s17 =	sadd.s32 $0x210, s10;
	s16 =	sor.u32 $0x800, s11  }
0x42: {  	[hbm4b:s17+s2] =	stream.linear.scatter [tilespmem:s16], [sflag:$0x1], $0x80, $0x38;
	[tilespmem:$0x2200] =	vst v63  }
0x43: {  	s19 =	sadd.s32 $0x290, s10;
	s18 =	sor.u32 $0xA00, s11  }
0x44: {  	[hbm4b:s19+s2] =	stream.linear.scatter [tilespmem:s18], [sflag:$0x1], $0x80, $0x38;
	[tilespmem:$0x2200] =	vst v63  }
0x45: {  	s21 =	sadd.s32 $0x310, s10;
	s20 =	sor.u32 $0xC00, s11  }
0x46: {  	[hbm4b:s21+s2] =	stream.linear.scatter [tilespmem:s20], [sflag:$0x1], $0x80, $0x38;
	[tilespmem:$0x2200] =	vst v63  }
0x47: {  	s23 =	sadd.s32 $0x390, s10;
	s22 =	sor.u32 $0xE00, s11  }
0x48: {  	[hbm4b:s23+s2] =	stream.linear.scatter [tilespmem:s22], [sflag:$0x1], $0x80, $0x38;
	[tilespmem:$0x2200] =	vst v63  }
0x49: {  	s25 =	sadd.s32 $0x410, s10;
	s24 =	sor.u32 $0x1000, s11  }
0x4a: {  	[hbm4b:s25+s2] =	stream.linear.scatter [tilespmem:s24], [sflag:$0x1], $0x80, $0x38;
	[tilespmem:$0x2200] =	vst v63  }
0x4b: {  	s26 =	sor.u32 $0x1200, s11;
	s28 =	sadd.s32 $0x490, s10  }
0x4c: {  	[hbm4b:s28+s2] =	stream.linear.scatter [tilespmem:s26], [sflag:$0x1], $0x80, $0x38;
	[tilespmem:$0x2200] =	vst v63  }
0x4d: {  	s29 =	sor.u32 $0x1400, s11;
	s30 =	sadd.s32 $0x510, s10  }
0x4e: {  	[hbm4b:s30+s2] =	stream.linear.scatter [tilespmem:s29], [sflag:$0x1], $0x80, $0x38;
	[tilespmem:$0x2200] =	vst v63  }
0x4f: {  	s31 =	spop (v2sf);
	s16 =	sor.u32 $0x1600, s11;
	s17 =	sadd.s32 $0x590, s10  }
0x50: {  	[hbm4b:s17+s2] =	stream.linear.scatter [tilespmem:s16], [sflag:$0x1], $0x80, $0x38;
	[tilespmem:$0x2200] =	vst v63  }
0x51: {  	s12 =	sshll.u32 s31, $0x7;
	s19 =	sor.u32 $0x1800, s11;
	s20 =	sadd.s32 $0x610, s10  }
0x52: {  	[hbm4b:s20+s2] =	stream.linear.scatter [tilespmem:s19], [sflag:$0x1], $0x80, $0x38;
	[tilespmem:$0x2200] =	vst v63  }
0x53: {  	s12 =	sand.u32 $0x180, s12;
	s21 =	sor.u32 $0x1A00, s11;
	s22 =	sadd.s32 $0x690, s10  }
0x54: {  	[hbm4b:s22+s2] =	stream.linear.scatter [tilespmem:s21], [sflag:$0x1], $0x80, $0x38;
	[tilespmem:$0x2200] =	vst v63  }
0x55: {  	s18 =	sshll.u32 s31, $0xB;
	s23 =	sor.u32 $0x1C00, s11;
	s24 =	sadd.s32 $0x710, s10  }
0x56: {  	[hbm4b:s24+s2] =	stream.linear.scatter [tilespmem:s23], [sflag:$0x1], $0x80, $0x38;
	[tilespmem:$0x2200] =	vst v63  }
0x57: {  	s13 =	sand.u32 $0xFFFFE000, s18;
	s11 =	sor.u32 $0x1E00, s11;
	s25 =	sadd.s32 $0x790, s10  }
0x58: {  	[hbm4b:s25+s2] =	stream.linear.scatter [tilespmem:s11], [sflag:$0x1], $0x80, $0x38;
	[tilespmem:$0x2200] =	vst v63  }
0x59: {  	s26 =	sadd.s32 $0x20, s10;
	s11 =	sor.u32 s12, s13  }
0x5a: {  	[hbm4b:s26+s2] =	stream.linear.scatter [tilespmem:s11], [sflag:$0x1], $0x80, $0x38;
	[tilespmem:$0x2200] =	vst v63  }
0x5b: {  	s29 =	sadd.s32 $0xA0, s10;
	s28 =	sor.u32 $0x200, s11  }
0x5c: {  	[hbm4b:s29+s2] =	stream.linear.scatter [tilespmem:s28], [sflag:$0x1], $0x80, $0x38;
	[tilespmem:$0x2200] =	vst v63  }
0x5d: {  	s31 =	sadd.s32 $0x120, s10;
	s30 =	sor.u32 $0x400, s11  }
0x5e: {  	[hbm4b:s31+s2] =	stream.linear.scatter [tilespmem:s30], [sflag:$0x1], $0x80, $0x38;
	[tilespmem:$0x2200] =	vst v63  }
0x5f: {  	s15 =	sadd.s32 $0x1A0, s10;
	s14 =	sor.u32 $0x600, s11  }
0x60: {  	(v2sf) =	vpush v0, $0x3;
	[hbm4b:s15+s2] =	stream.linear.scatter [tilespmem:s14], [sflag:$0x1], $0x80, $0x38;
	[tilespmem:$0x2200] =	vst v63  }
0x61: {  	s17 =	sadd.s32 $0x220, s10;
	s16 =	sor.u32 $0x800, s11  }
0x62: {  	[hbm4b:s17+s2] =	stream.linear.scatter [tilespmem:s16], [sflag:$0x1], $0x80, $0x38;
	[tilespmem:$0x2200] =	vst v63  }
0x63: {  	s19 =	sadd.s32 $0x2A0, s10;
	s18 =	sor.u32 $0xA00, s11  }
0x64: {  	[hbm4b:s19+s2] =	stream.linear.scatter [tilespmem:s18], [sflag:$0x1], $0x80, $0x38;
	[tilespmem:$0x2200] =	vst v63  }
0x65: {  	s21 =	sadd.s32 $0x320, s10;
	s20 =	sor.u32 $0xC00, s11  }
0x66: {  	[hbm4b:s21+s2] =	stream.linear.scatter [tilespmem:s20], [sflag:$0x1], $0x80, $0x38;
	[tilespmem:$0x2200] =	vst v63  }
0x67: {  	s23 =	sadd.s32 $0x3A0, s10;
	s22 =	sor.u32 $0xE00, s11  }
0x68: {  	[hbm4b:s23+s2] =	stream.linear.scatter [tilespmem:s22], [sflag:$0x1], $0x80, $0x38;
	[tilespmem:$0x2200] =	vst v63  }
0x69: {  	s25 =	sadd.s32 $0x420, s10;
	s24 =	sor.u32 $0x1000, s11  }
0x6a: {  	[hbm4b:s25+s2] =	stream.linear.scatter [tilespmem:s24], [sflag:$0x1], $0x80, $0x38;
	[tilespmem:$0x2200] =	vst v63  }
0x6b: {  	s26 =	sor.u32 $0x1200, s11;
	s28 =	sadd.s32 $0x4A0, s10  }
0x6c: {  	[hbm4b:s28+s2] =	stream.linear.scatter [tilespmem:s26], [sflag:$0x1], $0x80, $0x38;
	[tilespmem:$0x2200] =	vst v63  }
0x6d: {  	s29 =	sor.u32 $0x1400, s11;
	s30 =	sadd.s32 $0x520, s10  }
0x6e: {  	[hbm4b:s30+s2] =	stream.linear.scatter [tilespmem:s29], [sflag:$0x1], $0x80, $0x38;
	[tilespmem:$0x2200] =	vst v63  }
0x6f: {  	s31 =	spop (v2sf);
	s16 =	sor.u32 $0x1600, s11;
	s17 =	sadd.s32 $0x5A0, s10  }
0x70: {  	[hbm4b:s17+s2] =	stream.linear.scatter [tilespmem:s16], [sflag:$0x1], $0x80, $0x38;
	[tilespmem:$0x2200] =	vst v63  }
0x71: {  	s12 =	sshll.u32 s31, $0x7;
	s19 =	sor.u32 $0x1800, s11;
	s20 =	sadd.s32 $0x620, s10  }
0x72: {  	[hbm4b:s20+s2] =	stream.linear.scatter [tilespmem:s19], [sflag:$0x1], $0x80, $0x38;
	[tilespmem:$0x2200] =	vst v63  }
0x73: {  	s12 =	sand.u32 $0x180, s12;
	s21 =	sor.u32 $0x1A00, s11;
	s22 =	sadd.s32 $0x6A0, s10  }
0x74: {  	[hbm4b:s22+s2] =	stream.linear.scatter [tilespmem:s21], [sflag:$0x1], $0x80, $0x38;
	[tilespmem:$0x2200] =	vst v63  }
0x75: {  	s18 =	sshll.u32 s31, $0xB;
	s23 =	sor.u32 $0x1C00, s11;
	s24 =	sadd.s32 $0x720, s10  }
0x76: {  	[hbm4b:s24+s2] =	stream.linear.scatter [tilespmem:s23], [sflag:$0x1], $0x80, $0x38;
	[tilespmem:$0x2200] =	vst v63  }
0x77: {  	s13 =	sand.u32 $0xFFFFE000, s18;
	s11 =	sor.u32 $0x1E00, s11;
	s25 =	sadd.s32 $0x7A0, s10  }
0x78: {  	[hbm4b:s25+s2] =	stream.linear.scatter [tilespmem:s11], [sflag:$0x1], $0x80, $0x38;
	[tilespmem:$0x2200] =	vst v63  }
0x79: {  	s26 =	sadd.s32 $0x30, s10;
	s11 =	sor.u32 s12, s13  }
0x7a: {  	[hbm4b:s26+s2] =	stream.linear.scatter [tilespmem:s11], [sflag:$0x1], $0x80, $0x38;
	[tilespmem:$0x2200] =	vst v63  }
0x7b: {  	s29 =	sadd.s32 $0xB0, s10;
	s28 =	sor.u32 $0x200, s11  }
0x7c: {  	[hbm4b:s29+s2] =	stream.linear.scatter [tilespmem:s28], [sflag:$0x1], $0x80, $0x38;
	[tilespmem:$0x2200] =	vst v63  }
0x7d: {  	s31 =	sadd.s32 $0x130, s10;
	s30 =	sor.u32 $0x400, s11  }
0x7e: {  	[hbm4b:s31+s2] =	stream.linear.scatter [tilespmem:s30], [sflag:$0x1], $0x80, $0x38;
	[tilespmem:$0x2200] =	vst v63  }
0x7f: {  	s15 =	sadd.s32 $0x1B0, s10;
	s14 =	sor.u32 $0x600, s11  }
0x80: {  	(v2sf) =	vpush v0, $0x4;
	[hbm4b:s15+s2] =	stream.linear.scatter [tilespmem:s14], [sflag:$0x1], $0x80, $0x38;
	[tilespmem:$0x2200] =	vst v63  }
0x81: {  	s17 =	sadd.s32 $0x230, s10;
	s16 =	sor.u32 $0x800, s11  }
0x82: {  	[hbm4b:s17+s2] =	stream.linear.scatter [tilespmem:s16], [sflag:$0x1], $0x80, $0x38;
	[tilespmem:$0x2200] =	vst v63  }
0x83: {  	s19 =	sadd.s32 $0x2B0, s10;
	s18 =	sor.u32 $0xA00, s11  }
0x84: {  	[hbm4b:s19+s2] =	stream.linear.scatter [tilespmem:s18], [sflag:$0x1], $0x80, $0x38;
	[tilespmem:$0x2200] =	vst v63  }
0x85: {  	s21 =	sadd.s32 $0x330, s10;
	s20 =	sor.u32 $0xC00, s11  }
0x86: {  	[hbm4b:s21+s2] =	stream.linear.scatter [tilespmem:s20], [sflag:$0x1], $0x80, $0x38;
	[tilespmem:$0x2200] =	vst v63  }
0x87: {  	s23 =	sadd.s32 $0x3B0, s10;
	s22 =	sor.u32 $0xE00, s11  }
0x88: {  	[hbm4b:s23+s2] =	stream.linear.scatter [tilespmem:s22], [sflag:$0x1], $0x80, $0x38;
	[tilespmem:$0x2200] =	vst v63  }
0x89: {  	s25 =	sadd.s32 $0x430, s10;
	s24 =	sor.u32 $0x1000, s11  }
0x8a: {  	[hbm4b:s25+s2] =	stream.linear.scatter [tilespmem:s24], [sflag:$0x1], $0x80, $0x38;
	[tilespmem:$0x2200] =	vst v63  }
0x8b: {  	s26 =	sor.u32 $0x1200, s11;
	s28 =	sadd.s32 $0x4B0, s10  }
0x8c: {  	[hbm4b:s28+s2] =	stream.linear.scatter [tilespmem:s26], [sflag:$0x1], $0x80, $0x38;
	[tilespmem:$0x2200] =	vst v63  }
0x8d: {  	s29 =	sor.u32 $0x1400, s11;
	s30 =	sadd.s32 $0x530, s10  }
0x8e: {  	[hbm4b:s30+s2] =	stream.linear.scatter [tilespmem:s29], [sflag:$0x1], $0x80, $0x38;
	[tilespmem:$0x2200] =	vst v63  }
0x8f: {  	s31 =	spop (v2sf);
	s16 =	sor.u32 $0x1600, s11;
	s17 =	sadd.s32 $0x5B0, s10  }
0x90: {  	[hbm4b:s17+s2] =	stream.linear.scatter [tilespmem:s16], [sflag:$0x1], $0x80, $0x38;
	[tilespmem:$0x2200] =	vst v63  }
0x91: {  	s12 =	sshll.u32 s31, $0x7;
	s19 =	sor.u32 $0x1800, s11;
	s20 =	sadd.s32 $0x630, s10  }
0x92: {  	[hbm4b:s20+s2] =	stream.linear.scatter [tilespmem:s19], [sflag:$0x1], $0x80, $0x38;
	[tilespmem:$0x2200] =	vst v63  }
0x93: {  	s12 =	sand.u32 $0x180, s12;
	s21 =	sor.u32 $0x1A00, s11;
	s22 =	sadd.s32 $0x6B0, s10  }
0x94: {  	[hbm4b:s22+s2] =	stream.linear.scatter [tilespmem:s21], [sflag:$0x1], $0x80, $0x38;
	[tilespmem:$0x2200] =	vst v63  }
0x95: {  	s18 =	sshll.u32 s31, $0xB;
	s23 =	sor.u32 $0x1C00, s11;
	s24 =	sadd.s32 $0x730, s10  }
0x96: {  	[hbm4b:s24+s2] =	stream.linear.scatter [tilespmem:s23], [sflag:$0x1], $0x80, $0x38;
	[tilespmem:$0x2200] =	vst v63  }
0x97: {  	s13 =	sand.u32 $0xFFFFE000, s18;
	s11 =	sor.u32 $0x1E00, s11;
	s25 =	sadd.s32 $0x7B0, s10  }
0x98: {  	[hbm4b:s25+s2] =	stream.linear.scatter [tilespmem:s11], [sflag:$0x1], $0x80, $0x38;
	[tilespmem:$0x2200] =	vst v63  }
0x99: {  	s26 =	sadd.s32 $0x40, s10;
	s11 =	sor.u32 s12, s13  }
0x9a: {  	[hbm4b:s26+s2] =	stream.linear.scatter [tilespmem:s11], [sflag:$0x1], $0x80, $0x38;
	[tilespmem:$0x2200] =	vst v63  }
0x9b: {  	s29 =	sadd.s32 $0xC0, s10;
	s28 =	sor.u32 $0x200, s11  }
0x9c: {  	[hbm4b:s29+s2] =	stream.linear.scatter [tilespmem:s28], [sflag:$0x1], $0x80, $0x38;
	[tilespmem:$0x2200] =	vst v63  }
0x9d: {  	s31 =	sadd.s32 $0x140, s10;
	s30 =	sor.u32 $0x400, s11  }
0x9e: {  	[hbm4b:s31+s2] =	stream.linear.scatter [tilespmem:s30], [sflag:$0x1], $0x80, $0x38;
	[tilespmem:$0x2200] =	vst v63  }
0x9f: {  	s15 =	sadd.s32 $0x1C0, s10;
	s14 =	sor.u32 $0x600, s11  }
0xa0: {  	(v2sf) =	vpush v0, $0x5;
	[hbm4b:s15+s2] =	stream.linear.scatter [tilespmem:s14], [sflag:$0x1], $0x80, $0x38;
	[tilespmem:$0x2200] =	vst v63  }
0xa1: {  	s17 =	sadd.s32 $0x240, s10;
	s16 =	sor.u32 $0x800, s11  }
0xa2: {  	[hbm4b:s17+s2] =	stream.linear.scatter [tilespmem:s16], [sflag:$0x1], $0x80, $0x38;
	[tilespmem:$0x2200] =	vst v63  }
0xa3: {  	s19 =	sadd.s32 $0x2C0, s10;
	s18 =	sor.u32 $0xA00, s11  }
0xa4: {  	[hbm4b:s19+s2] =	stream.linear.scatter [tilespmem:s18], [sflag:$0x1], $0x80, $0x38;
	[tilespmem:$0x2200] =	vst v63  }
0xa5: {  	s21 =	sadd.s32 $0x340, s10;
	s20 =	sor.u32 $0xC00, s11  }
0xa6: {  	[hbm4b:s21+s2] =	stream.linear.scatter [tilespmem:s20], [sflag:$0x1], $0x80, $0x38;
	[tilespmem:$0x2200] =	vst v63  }
0xa7: {  	s23 =	sadd.s32 $0x3C0, s10;
	s22 =	sor.u32 $0xE00, s11  }
0xa8: {  	[hbm4b:s23+s2] =	stream.linear.scatter [tilespmem:s22], [sflag:$0x1], $0x80, $0x38;
	[tilespmem:$0x2200] =	vst v63  }
0xa9: {  	s25 =	sadd.s32 $0x440, s10;
	s24 =	sor.u32 $0x1000, s11  }
0xaa: {  	[hbm4b:s25+s2] =	stream.linear.scatter [tilespmem:s24], [sflag:$0x1], $0x80, $0x38;
	[tilespmem:$0x2200] =	vst v63  }
0xab: {  	s26 =	sor.u32 $0x1200, s11;
	s28 =	sadd.s32 $0x4C0, s10  }
0xac: {  	[hbm4b:s28+s2] =	stream.linear.scatter [tilespmem:s26], [sflag:$0x1], $0x80, $0x38;
	[tilespmem:$0x2200] =	vst v63  }
0xad: {  	s29 =	sor.u32 $0x1400, s11;
	s30 =	sadd.s32 $0x540, s10  }
0xae: {  	[hbm4b:s30+s2] =	stream.linear.scatter [tilespmem:s29], [sflag:$0x1], $0x80, $0x38;
	[tilespmem:$0x2200] =	vst v63  }
0xaf: {  	s31 =	spop (v2sf);
	s16 =	sor.u32 $0x1600, s11;
	s17 =	sadd.s32 $0x5C0, s10  }
0xb0: {  	[hbm4b:s17+s2] =	stream.linear.scatter [tilespmem:s16], [sflag:$0x1], $0x80, $0x38;
	[tilespmem:$0x2200] =	vst v63  }
0xb1: {  	s12 =	sshll.u32 s31, $0x7;
	s19 =	sor.u32 $0x1800, s11;
	s20 =	sadd.s32 $0x640, s10  }
0xb2: {  	[hbm4b:s20+s2] =	stream.linear.scatter [tilespmem:s19], [sflag:$0x1], $0x80, $0x38;
	[tilespmem:$0x2200] =	vst v63  }
0xb3: {  	s12 =	sand.u32 $0x180, s12;
	s21 =	sor.u32 $0x1A00, s11;
	s22 =	sadd.s32 $0x6C0, s10  }
0xb4: {  	[hbm4b:s22+s2] =	stream.linear.scatter [tilespmem:s21], [sflag:$0x1], $0x80, $0x38;
	[tilespmem:$0x2200] =	vst v63  }
0xb5: {  	s18 =	sshll.u32 s31, $0xB;
	s23 =	sor.u32 $0x1C00, s11;
	s24 =	sadd.s32 $0x740, s10  }
0xb6: {  	[hbm4b:s24+s2] =	stream.linear.scatter [tilespmem:s23], [sflag:$0x1], $0x80, $0x38;
	[tilespmem:$0x2200] =	vst v63  }
0xb7: {  	s13 =	sand.u32 $0xFFFFE000, s18;
	s11 =	sor.u32 $0x1E00, s11;
	s25 =	sadd.s32 $0x7C0, s10  }
0xb8: {  	[hbm4b:s25+s2] =	stream.linear.scatter [tilespmem:s11], [sflag:$0x1], $0x80, $0x38;
	[tilespmem:$0x2200] =	vst v63  }
0xb9: {  	s26 =	sadd.s32 $0x50, s10;
	s11 =	sor.u32 s12, s13  }
0xba: {  	[hbm4b:s26+s2] =	stream.linear.scatter [tilespmem:s11], [sflag:$0x1], $0x80, $0x38;
	[tilespmem:$0x2200] =	vst v63  }
0xbb: {  	s29 =	sadd.s32 $0xD0, s10;
	s28 =	sor.u32 $0x200, s11  }
0xbc: {  	[hbm4b:s29+s2] =	stream.linear.scatter [tilespmem:s28], [sflag:$0x1], $0x80, $0x38;
	[tilespmem:$0x2200] =	vst v63  }
0xbd: {  	s31 =	sadd.s32 $0x150, s10;
	s30 =	sor.u32 $0x400, s11  }
0xbe: {  	[hbm4b:s31+s2] =	stream.linear.scatter [tilespmem:s30], [sflag:$0x1], $0x80, $0x38;
	[tilespmem:$0x2200] =	vst v63  }
0xbf: {  	s15 =	sadd.s32 $0x1D0, s10;
	s14 =	sor.u32 $0x600, s11  }
0xc0: {  	(v2sf) =	vpush v0, $0x6;
	[hbm4b:s15+s2] =	stream.linear.scatter [tilespmem:s14], [sflag:$0x1], $0x80, $0x38;
	[tilespmem:$0x2200] =	vst v63  }
0xc1: {  	s17 =	sadd.s32 $0x250, s10;
	s16 =	sor.u32 $0x800, s11  }
0xc2: {  	[hbm4b:s17+s2] =	stream.linear.scatter [tilespmem:s16], [sflag:$0x1], $0x80, $0x38;
	[tilespmem:$0x2200] =	vst v63  }
0xc3: {  	s19 =	sadd.s32 $0x2D0, s10;
	s18 =	sor.u32 $0xA00, s11  }
0xc4: {  	[hbm4b:s19+s2] =	stream.linear.scatter [tilespmem:s18], [sflag:$0x1], $0x80, $0x38;
	[tilespmem:$0x2200] =	vst v63  }
0xc5: {  	s21 =	sadd.s32 $0x350, s10;
	s20 =	sor.u32 $0xC00, s11  }
0xc6: {  	[hbm4b:s21+s2] =	stream.linear.scatter [tilespmem:s20], [sflag:$0x1], $0x80, $0x38;
	[tilespmem:$0x2200] =	vst v63  }
0xc7: {  	s23 =	sadd.s32 $0x3D0, s10;
	s22 =	sor.u32 $0xE00, s11  }
0xc8: {  	[hbm4b:s23+s2] =	stream.linear.scatter [tilespmem:s22], [sflag:$0x1], $0x80, $0x38;
	[tilespmem:$0x2200] =	vst v63  }
0xc9: {  	s25 =	sadd.s32 $0x450, s10;
	s24 =	sor.u32 $0x1000, s11  }
0xca: {  	[hbm4b:s25+s2] =	stream.linear.scatter [tilespmem:s24], [sflag:$0x1], $0x80, $0x38;
	[tilespmem:$0x2200] =	vst v63  }
0xcb: {  	s26 =	sor.u32 $0x1200, s11;
	s28 =	sadd.s32 $0x4D0, s10  }
0xcc: {  	[hbm4b:s28+s2] =	stream.linear.scatter [tilespmem:s26], [sflag:$0x1], $0x80, $0x38;
	[tilespmem:$0x2200] =	vst v63  }
0xcd: {  	s29 =	sor.u32 $0x1400, s11;
	s30 =	sadd.s32 $0x550, s10  }
0xce: {  	[hbm4b:s30+s2] =	stream.linear.scatter [tilespmem:s29], [sflag:$0x1], $0x80, $0x38;
	[tilespmem:$0x2200] =	vst v63  }
0xcf: {  	s31 =	spop (v2sf);
	s16 =	sor.u32 $0x1600, s11;
	s17 =	sadd.s32 $0x5D0, s10  }
0xd0: {  	[hbm4b:s17+s2] =	stream.linear.scatter [tilespmem:s16], [sflag:$0x1], $0x80, $0x38;
	[tilespmem:$0x2200] =	vst v63  }
0xd1: {  	s12 =	sshll.u32 s31, $0x7;
	s19 =	sor.u32 $0x1800, s11;
	s20 =	sadd.s32 $0x650, s10  }
0xd2: {  	[hbm4b:s20+s2] =	stream.linear.scatter [tilespmem:s19], [sflag:$0x1], $0x80, $0x38;
	[tilespmem:$0x2200] =	vst v63  }
0xd3: {  	s12 =	sand.u32 $0x180, s12;
	s21 =	sor.u32 $0x1A00, s11;
	s22 =	sadd.s32 $0x6D0, s10  }
0xd4: {  	[hbm4b:s22+s2] =	stream.linear.scatter [tilespmem:s21], [sflag:$0x1], $0x80, $0x38;
	[tilespmem:$0x2200] =	vst v63  }
0xd5: {  	s18 =	sshll.u32 s31, $0xB;
	s23 =	sor.u32 $0x1C00, s11;
	s24 =	sadd.s32 $0x750, s10  }
0xd6: {  	[hbm4b:s24+s2] =	stream.linear.scatter [tilespmem:s23], [sflag:$0x1], $0x80, $0x38;
	[tilespmem:$0x2200] =	vst v63  }
0xd7: {  	s13 =	sand.u32 $0xFFFFE000, s18;
	s11 =	sor.u32 $0x1E00, s11;
	s25 =	sadd.s32 $0x7D0, s10  }
0xd8: {  	[hbm4b:s25+s2] =	stream.linear.scatter [tilespmem:s11], [sflag:$0x1], $0x80, $0x38;
	[tilespmem:$0x2200] =	vst v63  }
0xd9: {  	s26 =	sadd.s32 $0x60, s10;
	s11 =	sor.u32 s12, s13  }
0xda: {  	[hbm4b:s26+s2] =	stream.linear.scatter [tilespmem:s11], [sflag:$0x1], $0x80, $0x38;
	[tilespmem:$0x2200] =	vst v63  }
0xdb: {  	s29 =	sadd.s32 $0xE0, s10;
	s28 =	sor.u32 $0x200, s11  }
0xdc: {  	[hbm4b:s29+s2] =	stream.linear.scatter [tilespmem:s28], [sflag:$0x1], $0x80, $0x38;
	[tilespmem:$0x2200] =	vst v63  }
0xdd: {  	s31 =	sadd.s32 $0x160, s10;
	s30 =	sor.u32 $0x400, s11  }
0xde: {  	[hbm4b:s31+s2] =	stream.linear.scatter [tilespmem:s30], [sflag:$0x1], $0x80, $0x38;
	[tilespmem:$0x2200] =	vst v63  }
0xdf: {  	s15 =	sadd.s32 $0x1E0, s10;
	s14 =	sor.u32 $0x600, s11  }
0xe0: {  	(v2sf) =	vpush v0, $0x7;
	[hbm4b:s15+s2] =	stream.linear.scatter [tilespmem:s14], [sflag:$0x1], $0x80, $0x38;
	[tilespmem:$0x2200] =	vst v63  }
0xe1: {  	s17 =	sadd.s32 $0x260, s10;
	s16 =	sor.u32 $0x800, s11  }
0xe2: {  	[hbm4b:s17+s2] =	stream.linear.scatter [tilespmem:s16], [sflag:$0x1], $0x80, $0x38;
	[tilespmem:$0x2200] =	vst v63  }
0xe3: {  	s19 =	sadd.s32 $0x2E0, s10;
	s18 =	sor.u32 $0xA00, s11  }
0xe4: {  	[hbm4b:s19+s2] =	stream.linear.scatter [tilespmem:s18], [sflag:$0x1], $0x80, $0x38;
	[tilespmem:$0x2200] =	vst v63  }
0xe5: {  	s21 =	sadd.s32 $0x360, s10;
	s20 =	sor.u32 $0xC00, s11  }
0xe6: {  	[hbm4b:s21+s2] =	stream.linear.scatter [tilespmem:s20], [sflag:$0x1], $0x80, $0x38;
	[tilespmem:$0x2200] =	vst v63  }
0xe7: {  	s23 =	sadd.s32 $0x3E0, s10;
	s22 =	sor.u32 $0xE00, s11  }
0xe8: {  	[hbm4b:s23+s2] =	stream.linear.scatter [tilespmem:s22], [sflag:$0x1], $0x80, $0x38;
	[tilespmem:$0x2200] =	vst v63  }
0xe9: {  	s25 =	sadd.s32 $0x460, s10;
	s24 =	sor.u32 $0x1000, s11  }
0xea: {  	[hbm4b:s25+s2] =	stream.linear.scatter [tilespmem:s24], [sflag:$0x1], $0x80, $0x38;
	[tilespmem:$0x2200] =	vst v63  }
0xeb: {  	s26 =	sor.u32 $0x1200, s11;
	s28 =	sadd.s32 $0x4E0, s10  }
0xec: {  	[hbm4b:s28+s2] =	stream.linear.scatter [tilespmem:s26], [sflag:$0x1], $0x80, $0x38;
	[tilespmem:$0x2200] =	vst v63  }
0xed: {  	s29 =	sor.u32 $0x1400, s11;
	s30 =	sadd.s32 $0x560, s10  }
0xee: {  	[hbm4b:s30+s2] =	stream.linear.scatter [tilespmem:s29], [sflag:$0x1], $0x80, $0x38;
	[tilespmem:$0x2200] =	vst v63  }
0xef: {  	s31 =	spop (v2sf);
	s16 =	sor.u32 $0x1600, s11;
	s17 =	sadd.s32 $0x5E0, s10  }
0xf0: {  	[hbm4b:s17+s2] =	stream.linear.scatter [tilespmem:s16], [sflag:$0x1], $0x80, $0x38;
	[tilespmem:$0x2200] =	vst v63  }
0xf1: {  	s12 =	sshll.u32 s31, $0x7;
	s19 =	sor.u32 $0x1800, s11;
	s20 =	sadd.s32 $0x660, s10  }
0xf2: {  	[hbm4b:s20+s2] =	stream.linear.scatter [tilespmem:s19], [sflag:$0x1], $0x80, $0x38;
	[tilespmem:$0x2200] =	vst v63  }
0xf3: {  	s12 =	sand.u32 $0x180, s12;
	s21 =	sor.u32 $0x1A00, s11;
	s22 =	sadd.s32 $0x6E0, s10  }
0xf4: {  	[hbm4b:s22+s2] =	stream.linear.scatter [tilespmem:s21], [sflag:$0x1], $0x80, $0x38;
	[tilespmem:$0x2200] =	vst v63  }
0xf5: {  	s18 =	sshll.u32 s31, $0xB;
	s23 =	sor.u32 $0x1C00, s11;
	s24 =	sadd.s32 $0x760, s10  }
0xf6: {  	[hbm4b:s24+s2] =	stream.linear.scatter [tilespmem:s23], [sflag:$0x1], $0x80, $0x38;
	[tilespmem:$0x2200] =	vst v63  }
0xf7: {  	s13 =	sand.u32 $0xFFFFE000, s18;
	s11 =	sor.u32 $0x1E00, s11;
	s25 =	sadd.s32 $0x7E0, s10  }
0xf8: {  	[hbm4b:s25+s2] =	stream.linear.scatter [tilespmem:s11], [sflag:$0x1], $0x80, $0x38;
	[tilespmem:$0x2200] =	vst v63  }
0xf9: {  	s26 =	sadd.s32 $0x70, s10;
	s11 =	sor.u32 s12, s13  }
0xfa: {  	[hbm4b:s26+s2] =	stream.linear.scatter [tilespmem:s11], [sflag:$0x1], $0x80, $0x38;
	[tilespmem:$0x2200] =	vst v63  }
0xfb: {  	s29 =	sadd.s32 $0xF0, s10;
	s28 =	sor.u32 $0x200, s11  }
0xfc: {  	[hbm4b:s29+s2] =	stream.linear.scatter [tilespmem:s28], [sflag:$0x1], $0x80, $0x38;
	[tilespmem:$0x2200] =	vst v63  }
0xfd: {  	s31 =	sadd.s32 $0x170, s10;
	s30 =	sor.u32 $0x400, s11  }
0xfe: {  	[hbm4b:s31+s2] =	stream.linear.scatter [tilespmem:s30], [sflag:$0x1], $0x80, $0x38;
	[tilespmem:$0x2200] =	vst v63  }
0xff: {  	s15 =	sadd.s32 $0x1F0, s10;
	s14 =	sor.u32 $0x600, s11  }
0x100: {  	(v2sf) =	vpush v0, $0x8;
	[hbm4b:s15+s2] =	stream.linear.scatter [tilespmem:s14], [sflag:$0x1], $0x80, $0x38;
	[tilespmem:$0x2200] =	vst v63  }
0x101: {  	s17 =	sadd.s32 $0x270, s10;
	s16 =	sor.u32 $0x800, s11  }
0x102: {  	[hbm4b:s17+s2] =	stream.linear.scatter [tilespmem:s16], [sflag:$0x1], $0x80, $0x38;
	[tilespmem:$0x2200] =	vst v63  }
0x103: {  	s19 =	sadd.s32 $0x2F0, s10;
	s18 =	sor.u32 $0xA00, s11  }
0x104: {  	[hbm4b:s19+s2] =	stream.linear.scatter [tilespmem:s18], [sflag:$0x1], $0x80, $0x38;
	[tilespmem:$0x2200] =	vst v63  }
0x105: {  	s21 =	sadd.s32 $0x370, s10;
	s20 =	sor.u32 $0xC00, s11  }
0x106: {  	[hbm4b:s21+s2] =	stream.linear.scatter [tilespmem:s20], [sflag:$0x1], $0x80, $0x38;
	[tilespmem:$0x2200] =	vst v63  }
0x107: {  	s23 =	sadd.s32 $0x3F0, s10;
	s22 =	sor.u32 $0xE00, s11  }
0x108: {  	[hbm4b:s23+s2] =	stream.linear.scatter [tilespmem:s22], [sflag:$0x1], $0x80, $0x38;
	[tilespmem:$0x2200] =	vst v63  }
0x109: {  	s25 =	sadd.s32 $0x470, s10;
	s24 =	sor.u32 $0x1000, s11  }
0x10a: {  	[hbm4b:s25+s2] =	stream.linear.scatter [tilespmem:s24], [sflag:$0x1], $0x80, $0x38;
	[tilespmem:$0x2200] =	vst v63  }
0x10b: {  	s26 =	sor.u32 $0x1200, s11;
	s28 =	sadd.s32 $0x4F0, s10  }
0x10c: {  	[hbm4b:s28+s2] =	stream.linear.scatter [tilespmem:s26], [sflag:$0x1], $0x80, $0x38;
	[tilespmem:$0x2200] =	vst v63  }
0x10d: {  	s29 =	sor.u32 $0x1400, s11;
	s30 =	sadd.s32 $0x570, s10  }
0x10e: {  	[hbm4b:s30+s2] =	stream.linear.scatter [tilespmem:s29], [sflag:$0x1], $0x80, $0x38;
	[tilespmem:$0x2200] =	vst v63  }
0x10f: {  	s31 =	spop (v2sf);
	s16 =	sor.u32 $0x1600, s11;
	s17 =	sadd.s32 $0x5F0, s10  }
0x110: {  	[hbm4b:s17+s2] =	stream.linear.scatter [tilespmem:s16], [sflag:$0x1], $0x80, $0x38;
	[tilespmem:$0x2200] =	vst v63  }
0x111: {  	s12 =	sshll.u32 s31, $0x7;
	s19 =	sor.u32 $0x1800, s11;
	s20 =	sadd.s32 $0x670, s10  }
0x112: {  	[hbm4b:s20+s2] =	stream.linear.scatter [tilespmem:s19], [sflag:$0x1], $0x80, $0x38;
	[tilespmem:$0x2200] =	vst v63  }
0x113: {  	s12 =	sand.u32 $0x180, s12;
	s21 =	sor.u32 $0x1A00, s11;
	s22 =	sadd.s32 $0x6F0, s10  }
0x114: {  	[hbm4b:s22+s2] =	stream.linear.scatter [tilespmem:s21], [sflag:$0x1], $0x80, $0x38;
	[tilespmem:$0x2200] =	vst v63  }
0x115: {  	s18 =	sshll.u32 s31, $0xB;
	s23 =	sor.u32 $0x1C00, s11;
	s24 =	sadd.s32 $0x770, s10  }
0x116: {  	[hbm4b:s24+s2] =	stream.linear.scatter [tilespmem:s23], [sflag:$0x1], $0x80, $0x38;
	[tilespmem:$0x2200] =	vst v63  }
0x117: {  	s13 =	sand.u32 $0xFFFFE000, s18;
	s11 =	sor.u32 $0x1E00, s11;
	s25 =	sadd.s32 $0x7F0, s10  }
0x118: {  	[hbm4b:s25+s2] =	stream.linear.scatter [tilespmem:s11], [sflag:$0x1], $0x80, $0x38;
	[tilespmem:$0x2200] =	vst v63  }
0x119: {  	s26 =	sadd.s32 $0x800, s10;
	s11 =	sor.u32 s12, s13  }
0x11a: {  	[hbm4b:s26+s2] =	stream.linear.scatter [tilespmem:s11], [sflag:$0x1], $0x80, $0x38;
	[tilespmem:$0x2200] =	vst v63  }
0x11b: {  	s29 =	sadd.s32 $0x880, s10;
	s28 =	sor.u32 $0x200, s11  }
0x11c: {  	[hbm4b:s29+s2] =	stream.linear.scatter [tilespmem:s28], [sflag:$0x1], $0x80, $0x38;
	[tilespmem:$0x2200] =	vst v63  }
0x11d: {  	s31 =	sadd.s32 $0x900, s10;
	s30 =	sor.u32 $0x400, s11  }
0x11e: {  	[hbm4b:s31+s2] =	stream.linear.scatter [tilespmem:s30], [sflag:$0x1], $0x80, $0x38;
	[tilespmem:$0x2200] =	vst v63  }
0x11f: {  	s15 =	sadd.s32 $0x980, s10;
	s14 =	sor.u32 $0x600, s11  }
0x120: {  	(v2sf) =	vpush v0, $0x9;
	[hbm4b:s15+s2] =	stream.linear.scatter [tilespmem:s14], [sflag:$0x1], $0x80, $0x38;
	[tilespmem:$0x2200] =	vst v63  }
0x121: {  	s17 =	sadd.s32 $0xA00, s10;
	s16 =	sor.u32 $0x800, s11  }
0x122: {  	[hbm4b:s17+s2] =	stream.linear.scatter [tilespmem:s16], [sflag:$0x1], $0x80, $0x38;
	[tilespmem:$0x2200] =	vst v63  }
0x123: {  	s19 =	sadd.s32 $0xA80, s10;
	s18 =	sor.u32 $0xA00, s11  }
0x124: {  	[hbm4b:s19+s2] =	stream.linear.scatter [tilespmem:s18], [sflag:$0x1], $0x80, $0x38;
	[tilespmem:$0x2200] =	vst v63  }
0x125: {  	s21 =	sadd.s32 $0xB00, s10;
	s20 =	sor.u32 $0xC00, s11  }
0x126: {  	[hbm4b:s21+s2] =	stream.linear.scatter [tilespmem:s20], [sflag:$0x1], $0x80, $0x38;
	[tilespmem:$0x2200] =	vst v63  }
0x127: {  	s23 =	sadd.s32 $0xB80, s10;
	s22 =	sor.u32 $0xE00, s11  }
0x128: {  	[hbm4b:s23+s2] =	stream.linear.scatter [tilespmem:s22], [sflag:$0x1], $0x80, $0x38;
	[tilespmem:$0x2200] =	vst v63  }
0x129: {  	s25 =	sadd.s32 $0xC00, s10;
	s24 =	sor.u32 $0x1000, s11  }
0x12a: {  	[hbm4b:s25+s2] =	stream.linear.scatter [tilespmem:s24], [sflag:$0x1], $0x80, $0x38;
	[tilespmem:$0x2200] =	vst v63  }
0x12b: {  	s26 =	sor.u32 $0x1200, s11;
	s28 =	sadd.s32 $0xC80, s10  }
0x12c: {  	[hbm4b:s28+s2] =	stream.linear.scatter [tilespmem:s26], [sflag:$0x1], $0x80, $0x38;
	[tilespmem:$0x2200] =	vst v63  }
0x12d: {  	s29 =	sor.u32 $0x1400, s11;
	s30 =	sadd.s32 $0xD00, s10  }
0x12e: {  	[hbm4b:s30+s2] =	stream.linear.scatter [tilespmem:s29], [sflag:$0x1], $0x80, $0x38;
	[tilespmem:$0x2200] =	vst v63  }
0x12f: {  	s31 =	spop (v2sf);
	s16 =	sor.u32 $0x1600, s11;
	s17 =	sadd.s32 $0xD80, s10  }
0x130: {  	[hbm4b:s17+s2] =	stream.linear.scatter [tilespmem:s16], [sflag:$0x1], $0x80, $0x38;
	[tilespmem:$0x2200] =	vst v63  }
0x131: {  	s12 =	sshll.u32 s31, $0x7;
	s19 =	sor.u32 $0x1800, s11;
	s20 =	sadd.s32 $0xE00, s10  }
0x132: {  	[hbm4b:s20+s2] =	stream.linear.scatter [tilespmem:s19], [sflag:$0x1], $0x80, $0x38;
	[tilespmem:$0x2200] =	vst v63  }
0x133: {  	s12 =	sand.u32 $0x180, s12;
	s21 =	sor.u32 $0x1A00, s11;
	s22 =	sadd.s32 $0xE80, s10  }
0x134: {  	[hbm4b:s22+s2] =	stream.linear.scatter [tilespmem:s21], [sflag:$0x1], $0x80, $0x38;
	[tilespmem:$0x2200] =	vst v63  }
0x135: {  	s18 =	sshll.u32 s31, $0xB;
	s23 =	sor.u32 $0x1C00, s11;
	s24 =	sadd.s32 $0xF00, s10  }
0x136: {  	[hbm4b:s24+s2] =	stream.linear.scatter [tilespmem:s23], [sflag:$0x1], $0x80, $0x38;
	[tilespmem:$0x2200] =	vst v63  }
0x137: {  	s13 =	sand.u32 $0xFFFFE000, s18;
	s11 =	sor.u32 $0x1E00, s11;
	s25 =	sadd.s32 $0xF80, s10  }
0x138: {  	[hbm4b:s25+s2] =	stream.linear.scatter [tilespmem:s11], [sflag:$0x1], $0x80, $0x38;
	[tilespmem:$0x2200] =	vst v63  }
0x139: {  	s26 =	sadd.s32 $0x810, s10;
	s11 =	sor.u32 s12, s13  }
0x13a: {  	[hbm4b:s26+s2] =	stream.linear.scatter [tilespmem:s11], [sflag:$0x1], $0x80, $0x38;
	[tilespmem:$0x2200] =	vst v63  }
0x13b: {  	s29 =	sadd.s32 $0x890, s10;
	s28 =	sor.u32 $0x200, s11  }
0x13c: {  	[hbm4b:s29+s2] =	stream.linear.scatter [tilespmem:s28], [sflag:$0x1], $0x80, $0x38;
	[tilespmem:$0x2200] =	vst v63  }
0x13d: {  	s31 =	sadd.s32 $0x910, s10;
	s30 =	sor.u32 $0x400, s11  }
0x13e: {  	[hbm4b:s31+s2] =	stream.linear.scatter [tilespmem:s30], [sflag:$0x1], $0x80, $0x38;
	[tilespmem:$0x2200] =	vst v63  }
0x13f: {  	s15 =	sadd.s32 $0x990, s10;
	s14 =	sor.u32 $0x600, s11  }
0x140: {  	(v2sf) =	vpush v0, $0xA;
	[hbm4b:s15+s2] =	stream.linear.scatter [tilespmem:s14], [sflag:$0x1], $0x80, $0x38;
	[tilespmem:$0x2200] =	vst v63  }
0x141: {  	s17 =	sadd.s32 $0xA10, s10;
	s16 =	sor.u32 $0x800, s11  }
0x142: {  	[hbm4b:s17+s2] =	stream.linear.scatter [tilespmem:s16], [sflag:$0x1], $0x80, $0x38;
	[tilespmem:$0x2200] =	vst v63  }
0x143: {  	s19 =	sadd.s32 $0xA90, s10;
	s18 =	sor.u32 $0xA00, s11  }
0x144: {  	[hbm4b:s19+s2] =	stream.linear.scatter [tilespmem:s18], [sflag:$0x1], $0x80, $0x38;
	[tilespmem:$0x2200] =	vst v63  }
0x145: {  	s21 =	sadd.s32 $0xB10, s10;
	s20 =	sor.u32 $0xC00, s11  }
0x146: {  	[hbm4b:s21+s2] =	stream.linear.scatter [tilespmem:s20], [sflag:$0x1], $0x80, $0x38;
	[tilespmem:$0x2200] =	vst v63  }
0x147: {  	s23 =	sadd.s32 $0xB90, s10;
	s22 =	sor.u32 $0xE00, s11  }
0x148: {  	[hbm4b:s23+s2] =	stream.linear.scatter [tilespmem:s22], [sflag:$0x1], $0x80, $0x38;
	[tilespmem:$0x2200] =	vst v63  }
0x149: {  	s25 =	sadd.s32 $0xC10, s10;
	s24 =	sor.u32 $0x1000, s11  }
0x14a: {  	[hbm4b:s25+s2] =	stream.linear.scatter [tilespmem:s24], [sflag:$0x1], $0x80, $0x38;
	[tilespmem:$0x2200] =	vst v63  }
0x14b: {  	s26 =	sor.u32 $0x1200, s11;
	s28 =	sadd.s32 $0xC90, s10  }
0x14c: {  	[hbm4b:s28+s2] =	stream.linear.scatter [tilespmem:s26], [sflag:$0x1], $0x80, $0x38;
	[tilespmem:$0x2200] =	vst v63  }
0x14d: {  	s29 =	sor.u32 $0x1400, s11;
	s30 =	sadd.s32 $0xD10, s10  }
0x14e: {  	[hbm4b:s30+s2] =	stream.linear.scatter [tilespmem:s29], [sflag:$0x1], $0x80, $0x38;
	[tilespmem:$0x2200] =	vst v63  }
0x14f: {  	s31 =	spop (v2sf);
	s16 =	sor.u32 $0x1600, s11;
	s17 =	sadd.s32 $0xD90, s10  }
0x150: {  	[hbm4b:s17+s2] =	stream.linear.scatter [tilespmem:s16], [sflag:$0x1], $0x80, $0x38;
	[tilespmem:$0x2200] =	vst v63  }
0x151: {  	s12 =	sshll.u32 s31, $0x7;
	s19 =	sor.u32 $0x1800, s11;
	s20 =	sadd.s32 $0xE10, s10  }
0x152: {  	[hbm4b:s20+s2] =	stream.linear.scatter [tilespmem:s19], [sflag:$0x1], $0x80, $0x38;
	[tilespmem:$0x2200] =	vst v63  }
0x153: {  	s12 =	sand.u32 $0x180, s12;
	s21 =	sor.u32 $0x1A00, s11;
	s22 =	sadd.s32 $0xE90, s10  }
0x154: {  	[hbm4b:s22+s2] =	stream.linear.scatter [tilespmem:s21], [sflag:$0x1], $0x80, $0x38;
	[tilespmem:$0x2200] =	vst v63  }
0x155: {  	s18 =	sshll.u32 s31, $0xB;
	s23 =	sor.u32 $0x1C00, s11;
	s24 =	sadd.s32 $0xF10, s10  }
0x156: {  	[hbm4b:s24+s2] =	stream.linear.scatter [tilespmem:s23], [sflag:$0x1], $0x80, $0x38;
	[tilespmem:$0x2200] =	vst v63  }
0x157: {  	s13 =	sand.u32 $0xFFFFE000, s18;
	s11 =	sor.u32 $0x1E00, s11;
	s25 =	sadd.s32 $0xF90, s10  }
0x158: {  	[hbm4b:s25+s2] =	stream.linear.scatter [tilespmem:s11], [sflag:$0x1], $0x80, $0x38;
	[tilespmem:$0x2200] =	vst v63  }
0x159: {  	s26 =	sadd.s32 $0x820, s10;
	s11 =	sor.u32 s12, s13  }
0x15a: {  	[hbm4b:s26+s2] =	stream.linear.scatter [tilespmem:s11], [sflag:$0x1], $0x80, $0x38;
	[tilespmem:$0x2200] =	vst v63  }
0x15b: {  	s29 =	sadd.s32 $0x8A0, s10;
	s28 =	sor.u32 $0x200, s11  }
0x15c: {  	[hbm4b:s29+s2] =	stream.linear.scatter [tilespmem:s28], [sflag:$0x1], $0x80, $0x38;
	[tilespmem:$0x2200] =	vst v63  }
0x15d: {  	s31 =	sadd.s32 $0x920, s10;
	s30 =	sor.u32 $0x400, s11  }
0x15e: {  	[hbm4b:s31+s2] =	stream.linear.scatter [tilespmem:s30], [sflag:$0x1], $0x80, $0x38;
	[tilespmem:$0x2200] =	vst v63  }
0x15f: {  	s15 =	sadd.s32 $0x9A0, s10;
	s14 =	sor.u32 $0x600, s11  }
0x160: {  	(v2sf) =	vpush v0, $0xB;
	[hbm4b:s15+s2] =	stream.linear.scatter [tilespmem:s14], [sflag:$0x1], $0x80, $0x38;
	[tilespmem:$0x2200] =	vst v63  }
0x161: {  	s17 =	sadd.s32 $0xA20, s10;
	s16 =	sor.u32 $0x800, s11  }
0x162: {  	[hbm4b:s17+s2] =	stream.linear.scatter [tilespmem:s16], [sflag:$0x1], $0x80, $0x38;
	[tilespmem:$0x2200] =	vst v63  }
0x163: {  	s19 =	sadd.s32 $0xAA0, s10;
	s18 =	sor.u32 $0xA00, s11  }
0x164: {  	[hbm4b:s19+s2] =	stream.linear.scatter [tilespmem:s18], [sflag:$0x1], $0x80, $0x38;
	[tilespmem:$0x2200] =	vst v63  }
0x165: {  	s21 =	sadd.s32 $0xB20, s10;
	s20 =	sor.u32 $0xC00, s11  }
0x166: {  	[hbm4b:s21+s2] =	stream.linear.scatter [tilespmem:s20], [sflag:$0x1], $0x80, $0x38;
	[tilespmem:$0x2200] =	vst v63  }
0x167: {  	s23 =	sadd.s32 $0xBA0, s10;
	s22 =	sor.u32 $0xE00, s11  }
0x168: {  	[hbm4b:s23+s2] =	stream.linear.scatter [tilespmem:s22], [sflag:$0x1], $0x80, $0x38;
	[tilespmem:$0x2200] =	vst v63  }
0x169: {  	s25 =	sadd.s32 $0xC20, s10;
	s24 =	sor.u32 $0x1000, s11  }
0x16a: {  	[hbm4b:s25+s2] =	stream.linear.scatter [tilespmem:s24], [sflag:$0x1], $0x80, $0x38;
	[tilespmem:$0x2200] =	vst v63  }
0x16b: {  	s26 =	sor.u32 $0x1200, s11;
	s28 =	sadd.s32 $0xCA0, s10  }
0x16c: {  	[hbm4b:s28+s2] =	stream.linear.scatter [tilespmem:s26], [sflag:$0x1], $0x80, $0x38;
	[tilespmem:$0x2200] =	vst v63  }
0x16d: {  	s29 =	sor.u32 $0x1400, s11;
	s30 =	sadd.s32 $0xD20, s10  }
0x16e: {  	[hbm4b:s30+s2] =	stream.linear.scatter [tilespmem:s29], [sflag:$0x1], $0x80, $0x38;
	[tilespmem:$0x2200] =	vst v63  }
0x16f: {  	s31 =	spop (v2sf);
	s16 =	sor.u32 $0x1600, s11;
	s17 =	sadd.s32 $0xDA0, s10  }
0x170: {  	[hbm4b:s17+s2] =	stream.linear.scatter [tilespmem:s16], [sflag:$0x1], $0x80, $0x38;
	[tilespmem:$0x2200] =	vst v63  }
0x171: {  	s12 =	sshll.u32 s31, $0x7;
	s19 =	sor.u32 $0x1800, s11;
	s20 =	sadd.s32 $0xE20, s10  }
0x172: {  	[hbm4b:s20+s2] =	stream.linear.scatter [tilespmem:s19], [sflag:$0x1], $0x80, $0x38;
	[tilespmem:$0x2200] =	vst v63  }
0x173: {  	s12 =	sand.u32 $0x180, s12;
	s21 =	sor.u32 $0x1A00, s11;
	s22 =	sadd.s32 $0xEA0, s10  }
0x174: {  	[hbm4b:s22+s2] =	stream.linear.scatter [tilespmem:s21], [sflag:$0x1], $0x80, $0x38;
	[tilespmem:$0x2200] =	vst v63  }
0x175: {  	s18 =	sshll.u32 s31, $0xB;
	s23 =	sor.u32 $0x1C00, s11;
	s24 =	sadd.s32 $0xF20, s10  }
0x176: {  	[hbm4b:s24+s2] =	stream.linear.scatter [tilespmem:s23], [sflag:$0x1], $0x80, $0x38;
	[tilespmem:$0x2200] =	vst v63  }
0x177: {  	s13 =	sand.u32 $0xFFFFE000, s18;
	s11 =	sor.u32 $0x1E00, s11;
	s25 =	sadd.s32 $0xFA0, s10  }
0x178: {  	[hbm4b:s25+s2] =	stream.linear.scatter [tilespmem:s11], [sflag:$0x1], $0x80, $0x38;
	[tilespmem:$0x2200] =	vst v63  }
0x179: {  	s26 =	sadd.s32 $0x830, s10;
	s11 =	sor.u32 s12, s13  }
0x17a: {  	[hbm4b:s26+s2] =	stream.linear.scatter [tilespmem:s11], [sflag:$0x1], $0x80, $0x38;
	[tilespmem:$0x2200] =	vst v63  }
0x17b: {  	s29 =	sadd.s32 $0x8B0, s10;
	s28 =	sor.u32 $0x200, s11  }
0x17c: {  	[hbm4b:s29+s2] =	stream.linear.scatter [tilespmem:s28], [sflag:$0x1], $0x80, $0x38;
	[tilespmem:$0x2200] =	vst v63  }
0x17d: {  	s31 =	sadd.s32 $0x930, s10;
	s30 =	sor.u32 $0x400, s11  }
0x17e: {  	[hbm4b:s31+s2] =	stream.linear.scatter [tilespmem:s30], [sflag:$0x1], $0x80, $0x38;
	[tilespmem:$0x2200] =	vst v63  }
0x17f: {  	s15 =	sadd.s32 $0x9B0, s10;
	s14 =	sor.u32 $0x600, s11  }
0x180: {  	(v2sf) =	vpush v0, $0xC;
	[hbm4b:s15+s2] =	stream.linear.scatter [tilespmem:s14], [sflag:$0x1], $0x80, $0x38;
	[tilespmem:$0x2200] =	vst v63  }
0x181: {  	s17 =	sadd.s32 $0xA30, s10;
	s16 =	sor.u32 $0x800, s11  }
0x182: {  	[hbm4b:s17+s2] =	stream.linear.scatter [tilespmem:s16], [sflag:$0x1], $0x80, $0x38;
	[tilespmem:$0x2200] =	vst v63  }
0x183: {  	s19 =	sadd.s32 $0xAB0, s10;
	s18 =	sor.u32 $0xA00, s11  }
0x184: {  	[hbm4b:s19+s2] =	stream.linear.scatter [tilespmem:s18], [sflag:$0x1], $0x80, $0x38;
	[tilespmem:$0x2200] =	vst v63  }
0x185: {  	s21 =	sadd.s32 $0xB30, s10;
	s20 =	sor.u32 $0xC00, s11  }
0x186: {  	[hbm4b:s21+s2] =	stream.linear.scatter [tilespmem:s20], [sflag:$0x1], $0x80, $0x38;
	[tilespmem:$0x2200] =	vst v63  }
0x187: {  	s23 =	sadd.s32 $0xBB0, s10;
	s22 =	sor.u32 $0xE00, s11  }
0x188: {  	[hbm4b:s23+s2] =	stream.linear.scatter [tilespmem:s22], [sflag:$0x1], $0x80, $0x38;
	[tilespmem:$0x2200] =	vst v63  }
0x189: {  	s25 =	sadd.s32 $0xC30, s10;
	s24 =	sor.u32 $0x1000, s11  }
0x18a: {  	[hbm4b:s25+s2] =	stream.linear.scatter [tilespmem:s24], [sflag:$0x1], $0x80, $0x38;
	[tilespmem:$0x2200] =	vst v63  }
0x18b: {  	s26 =	sor.u32 $0x1200, s11;
	s28 =	sadd.s32 $0xCB0, s10  }
0x18c: {  	[hbm4b:s28+s2] =	stream.linear.scatter [tilespmem:s26], [sflag:$0x1], $0x80, $0x38;
	[tilespmem:$0x2200] =	vst v63  }
0x18d: {  	s29 =	sor.u32 $0x1400, s11;
	s30 =	sadd.s32 $0xD30, s10  }
0x18e: {  	[hbm4b:s30+s2] =	stream.linear.scatter [tilespmem:s29], [sflag:$0x1], $0x80, $0x38;
	[tilespmem:$0x2200] =	vst v63  }
0x18f: {  	s31 =	spop (v2sf);
	s16 =	sor.u32 $0x1600, s11;
	s17 =	sadd.s32 $0xDB0, s10  }
0x190: {  	[hbm4b:s17+s2] =	stream.linear.scatter [tilespmem:s16], [sflag:$0x1], $0x80, $0x38;
	[tilespmem:$0x2200] =	vst v63  }
0x191: {  	s12 =	sshll.u32 s31, $0x7;
	s19 =	sor.u32 $0x1800, s11;
	s20 =	sadd.s32 $0xE30, s10  }
0x192: {  	[hbm4b:s20+s2] =	stream.linear.scatter [tilespmem:s19], [sflag:$0x1], $0x80, $0x38;
	[tilespmem:$0x2200] =	vst v63  }
0x193: {  	s12 =	sand.u32 $0x180, s12;
	s21 =	sor.u32 $0x1A00, s11;
	s22 =	sadd.s32 $0xEB0, s10  }
0x194: {  	[hbm4b:s22+s2] =	stream.linear.scatter [tilespmem:s21], [sflag:$0x1], $0x80, $0x38;
	[tilespmem:$0x2200] =	vst v63  }
0x195: {  	s18 =	sshll.u32 s31, $0xB;
	s23 =	sor.u32 $0x1C00, s11;
	s24 =	sadd.s32 $0xF30, s10  }
0x196: {  	[hbm4b:s24+s2] =	stream.linear.scatter [tilespmem:s23], [sflag:$0x1], $0x80, $0x38;
	[tilespmem:$0x2200] =	vst v63  }
0x197: {  	s13 =	sand.u32 $0xFFFFE000, s18;
	s11 =	sor.u32 $0x1E00, s11;
	s25 =	sadd.s32 $0xFB0, s10  }
0x198: {  	[hbm4b:s25+s2] =	stream.linear.scatter [tilespmem:s11], [sflag:$0x1], $0x80, $0x38;
	[tilespmem:$0x2200] =	vst v63  }
0x199: {  	s26 =	sadd.s32 $0x840, s10;
	s11 =	sor.u32 s12, s13  }
0x19a: {  	[hbm4b:s26+s2] =	stream.linear.scatter [tilespmem:s11], [sflag:$0x1], $0x80, $0x38;
	[tilespmem:$0x2200] =	vst v63  }
0x19b: {  	s29 =	sadd.s32 $0x8C0, s10;
	s28 =	sor.u32 $0x200, s11  }
0x19c: {  	[hbm4b:s29+s2] =	stream.linear.scatter [tilespmem:s28], [sflag:$0x1], $0x80, $0x38;
	[tilespmem:$0x2200] =	vst v63  }
0x19d: {  	s31 =	sadd.s32 $0x940, s10;
	s30 =	sor.u32 $0x400, s11  }
0x19e: {  	[hbm4b:s31+s2] =	stream.linear.scatter [tilespmem:s30], [sflag:$0x1], $0x80, $0x38;
	[tilespmem:$0x2200] =	vst v63  }
0x19f: {  	s15 =	sadd.s32 $0x9C0, s10;
	s14 =	sor.u32 $0x600, s11  }
0x1a0: {  	(v2sf) =	vpush v0, $0xD;
	[hbm4b:s15+s2] =	stream.linear.scatter [tilespmem:s14], [sflag:$0x1], $0x80, $0x38;
	[tilespmem:$0x2200] =	vst v63  }
0x1a1: {  	s17 =	sadd.s32 $0xA40, s10;
	s16 =	sor.u32 $0x800, s11  }
0x1a2: {  	[hbm4b:s17+s2] =	stream.linear.scatter [tilespmem:s16], [sflag:$0x1], $0x80, $0x38;
	[tilespmem:$0x2200] =	vst v63  }
0x1a3: {  	s19 =	sadd.s32 $0xAC0, s10;
	s18 =	sor.u32 $0xA00, s11  }
0x1a4: {  	[hbm4b:s19+s2] =	stream.linear.scatter [tilespmem:s18], [sflag:$0x1], $0x80, $0x38;
	[tilespmem:$0x2200] =	vst v63  }
0x1a5: {  	s21 =	sadd.s32 $0xB40, s10;
	s20 =	sor.u32 $0xC00, s11  }
0x1a6: {  	[hbm4b:s21+s2] =	stream.linear.scatter [tilespmem:s20], [sflag:$0x1], $0x80, $0x38;
	[tilespmem:$0x2200] =	vst v63  }
0x1a7: {  	s23 =	sadd.s32 $0xBC0, s10;
	s22 =	sor.u32 $0xE00, s11  }
0x1a8: {  	[hbm4b:s23+s2] =	stream.linear.scatter [tilespmem:s22], [sflag:$0x1], $0x80, $0x38;
	[tilespmem:$0x2200] =	vst v63  }
0x1a9: {  	s25 =	sadd.s32 $0xC40, s10;
	s24 =	sor.u32 $0x1000, s11  }
0x1aa: {  	[hbm4b:s25+s2] =	stream.linear.scatter [tilespmem:s24], [sflag:$0x1], $0x80, $0x38;
	[tilespmem:$0x2200] =	vst v63  }
0x1ab: {  	s26 =	sor.u32 $0x1200, s11;
	s28 =	sadd.s32 $0xCC0, s10  }
0x1ac: {  	[hbm4b:s28+s2] =	stream.linear.scatter [tilespmem:s26], [sflag:$0x1], $0x80, $0x38;
	[tilespmem:$0x2200] =	vst v63  }
0x1ad: {  	s29 =	sor.u32 $0x1400, s11;
	s30 =	sadd.s32 $0xD40, s10  }
0x1ae: {  	[hbm4b:s30+s2] =	stream.linear.scatter [tilespmem:s29], [sflag:$0x1], $0x80, $0x38;
	[tilespmem:$0x2200] =	vst v63  }
0x1af: {  	s31 =	spop (v2sf);
	s14 =	sor.u32 $0x1600, s11;
	s15 =	sadd.s32 $0xDC0, s10  }
0x1b0: {  	[hbm4b:s15+s2] =	stream.linear.scatter [tilespmem:s14], [sflag:$0x1], $0x80, $0x38;
	[tilespmem:$0x2200] =	vst v63  }
0x1b1: {  	s12 =	sshll.u32 s31, $0x7;
	s17 =	sor.u32 $0x1800, s11;
	s18 =	sadd.s32 $0xE40, s10  }
0x1b2: {  	[hbm4b:s18+s2] =	stream.linear.scatter [tilespmem:s17], [sflag:$0x1], $0x80, $0x38;
	[tilespmem:$0x2200] =	vst v63  }
0x1b3: {  	s12 =	sand.u32 $0x180, s12;
	s19 =	sor.u32 $0x1A00, s11;
	s20 =	sadd.s32 $0xEC0, s10  }
0x1b4: {  	[hbm4b:s20+s2] =	stream.linear.scatter [tilespmem:s19], [sflag:$0x1], $0x80, $0x38;
	[tilespmem:$0x2200] =	vst v63  }
0x1b5: {  	s16 =	sshll.u32 s31, $0xB;
	s21 =	sor.u32 $0x1C00, s11;
	s22 =	sadd.s32 $0xF40, s10  }
0x1b6: {  	[hbm4b:s22+s2] =	stream.linear.scatter [tilespmem:s21], [sflag:$0x1], $0x80, $0x38;
	[tilespmem:$0x2200] =	vst v63  }
0x1b7: {  	s13 =	sand.u32 $0xFFFFE000, s16;
	s11 =	sor.u32 $0x1E00, s11;
	s23 =	sadd.s32 $0xFC0, s10  }
0x1b8: {  	[hbm4b:s23+s2] =	stream.linear.scatter [tilespmem:s11], [sflag:$0x1], $0x80, $0x38;
	[tilespmem:$0x2200] =	vst v63  }
0x1b9: {  	s24 =	sadd.s32 $0x850, s10;
	s11 =	sor.u32 s12, s13  }
0x1ba: {  	[hbm4b:s24+s2] =	stream.linear.scatter [tilespmem:s11], [sflag:$0x1], $0x80, $0x38;
	[tilespmem:$0x2200] =	vst v63  }
0x1bb: {  	s26 =	sadd.s32 $0x8D0, s10;
	s25 =	sor.u32 $0x200, s11  }
0x1bc: {  	[hbm4b:s26+s2] =	stream.linear.scatter [tilespmem:s25], [sflag:$0x1], $0x80, $0x38;
	[tilespmem:$0x2200] =	vst v63  }
0x1bd: {  	s29 =	sadd.s32 $0x950, s10;
	s28 =	sor.u32 $0x400, s11  }
0x1be: {  	[hbm4b:s29+s2] =	stream.linear.scatter [tilespmem:s28], [sflag:$0x1], $0x80, $0x38;
	[tilespmem:$0x2200] =	vst v63  }
0x1bf: {  	s31 =	sadd.s32 $0x9D0, s10;
	s30 =	sor.u32 $0x600, s11  }
0x1c0: {  	(v2sf) =	vpush v0, $0xE;
	[hbm4b:s31+s2] =	stream.linear.scatter [tilespmem:s30], [sflag:$0x1], $0x80, $0x38;
	[tilespmem:$0x2200] =	vst v63  }
0x1c1: {  	s14 =	sadd.s32 $0xA50, s10;
	s13 =	sor.u32 $0x800, s11  }
0x1c2: {  	[hbm4b:s14+s2] =	stream.linear.scatter [tilespmem:s13], [sflag:$0x1], $0x80, $0x38;
	[tilespmem:$0x2200] =	vst v63  }
0x1c3: {  	s16 =	sadd.s32 $0xAD0, s10;
	s15 =	sor.u32 $0xA00, s11  }
0x1c4: {  	[hbm4b:s16+s2] =	stream.linear.scatter [tilespmem:s15], [sflag:$0x1], $0x80, $0x38;
	[tilespmem:$0x2200] =	vst v63  }
0x1c5: {  	s18 =	sadd.s32 $0xB50, s10;
	s17 =	sor.u32 $0xC00, s11  }
0x1c6: {  	[hbm4b:s18+s2] =	stream.linear.scatter [tilespmem:s17], [sflag:$0x1], $0x80, $0x38;
	[tilespmem:$0x2200] =	vst v63  }
0x1c7: {  	s20 =	sadd.s32 $0xBD0, s10;
	s19 =	sor.u32 $0xE00, s11  }
0x1c8: {  	[hbm4b:s20+s2] =	stream.linear.scatter [tilespmem:s19], [sflag:$0x1], $0x80, $0x38;
	[tilespmem:$0x2200] =	vst v63  }
0x1c9: {  	s22 =	sadd.s32 $0xC50, s10;
	s21 =	sor.u32 $0x1000, s11  }
0x1ca: {  	[hbm4b:s22+s2] =	stream.linear.scatter [tilespmem:s21], [sflag:$0x1], $0x80, $0x38;
	[tilespmem:$0x2200] =	vst v63  }
0x1cb: {  	s23 =	sor.u32 $0x1200, s11;
	s24 =	sadd.s32 $0xCD0, s10  }
0x1cc: {  	[hbm4b:s24+s2] =	stream.linear.scatter [tilespmem:s23], [sflag:$0x1], $0x80, $0x38;
	[tilespmem:$0x2200] =	vst v63  }
0x1cd: {  	s25 =	sor.u32 $0x1400, s11;
	s26 =	sadd.s32 $0xD50, s10  }
0x1ce: {  	[hbm4b:s26+s2] =	stream.linear.scatter [tilespmem:s25], [sflag:$0x1], $0x80, $0x38;
	[tilespmem:$0x2200] =	vst v63  }
0x1cf: {  	s28 =	spop (v2sf);
	s29 =	sor.u32 $0x1600, s11;
	s30 =	sadd.s32 $0xDD0, s10  }
0x1d0: {  	[hbm4b:s30+s2] =	stream.linear.scatter [tilespmem:s29], [sflag:$0x1], $0x80, $0x38;
	[tilespmem:$0x2200] =	vst v63  }
0x1d1: {  	s12 =	sshll.u32 s28, $0x7;
	s15 =	sor.u32 $0x1800, s11;
	s16 =	sadd.s32 $0xE50, s10  }
0x1d2: {  	[hbm4b:s16+s2] =	stream.linear.scatter [tilespmem:s15], [sflag:$0x1], $0x80, $0x38;
	[tilespmem:$0x2200] =	vst v63  }
0x1d3: {  	s31 =	sshll.u32 s28, $0xB;
	s17 =	sor.u32 $0x1A00, s11;
	s18 =	sadd.s32 $0xED0, s10  }
0x1d4: {  	[hbm4b:s18+s2] =	stream.linear.scatter [tilespmem:s17], [sflag:$0x1], $0x80, $0x38;
	[tilespmem:$0x2200] =	vst v63  }
0x1d5: {  	s12 =	sand.u32 $0x180, s12;
	s19 =	sor.u32 $0x1C00, s11;
	s20 =	sadd.s32 $0xF50, s10  }
0x1d6: {  	[hbm4b:s20+s2] =	stream.linear.scatter [tilespmem:s19], [sflag:$0x1], $0x80, $0x38;
	[tilespmem:$0x2200] =	vst v63  }
0x1d7: {  	s13 =	sand.u32 $0xFFFFE000, s31;
	s11 =	sor.u32 $0x1E00, s11;
	s21 =	sadd.s32 $0xFD0, s10  }
0x1d8: {  	[hbm4b:s21+s2] =	stream.linear.scatter [tilespmem:s11], [sflag:$0x1], $0x80, $0x38;
	[tilespmem:$0x2200] =	vst v63  }
0x1d9: {  	s22 =	sadd.s32 $0x860, s10;
	s11 =	sor.u32 s12, s13  }
0x1da: {  	[hbm4b:s22+s2] =	stream.linear.scatter [tilespmem:s11], [sflag:$0x1], $0x80, $0x38;
	[tilespmem:$0x2200] =	vst v63  }
0x1db: {  	s24 =	sadd.s32 $0x8E0, s10;
	s23 =	sor.u32 $0x200, s11  }
0x1dc: {  	[hbm4b:s24+s2] =	stream.linear.scatter [tilespmem:s23], [sflag:$0x1], $0x80, $0x38;
	[tilespmem:$0x2200] =	vst v63  }
0x1dd: {  	s26 =	sadd.s32 $0x960, s10;
	s25 =	sor.u32 $0x400, s11  }
0x1de: {  	[hbm4b:s26+s2] =	stream.linear.scatter [tilespmem:s25], [sflag:$0x1], $0x80, $0x38;
	[tilespmem:$0x2200] =	vst v63  }
0x1df: {  	s29 =	sadd.s32 $0x9E0, s10;
	s28 =	sor.u32 $0x600, s11  }
0x1e0: {  	(v2sf) =	vpush v0, $0xF;
	[hbm4b:s29+s2] =	stream.linear.scatter [tilespmem:s28], [sflag:$0x1], $0x80, $0x38;
	[tilespmem:$0x2200] =	vst v63  }
0x1e1: {  	s31 =	sadd.s32 $0xA60, s10;
	s30 =	sor.u32 $0x800, s11  }
0x1e2: {  	[hbm4b:s31+s2] =	stream.linear.scatter [tilespmem:s30], [sflag:$0x1], $0x80, $0x38;
	[tilespmem:$0x2200] =	vst v63  }
0x1e3: {  	s14 =	sadd.s32 $0xAE0, s10;
	s13 =	sor.u32 $0xA00, s11  }
0x1e4: {  	[hbm4b:s14+s2] =	stream.linear.scatter [tilespmem:s13], [sflag:$0x1], $0x80, $0x38;
	[tilespmem:$0x2200] =	vst v63  }
0x1e5: {  	s16 =	sadd.s32 $0xB60, s10;
	s15 =	sor.u32 $0xC00, s11  }
0x1e6: {  	[hbm4b:s16+s2] =	stream.linear.scatter [tilespmem:s15], [sflag:$0x1], $0x80, $0x38;
	[tilespmem:$0x2200] =	vst v63  }
0x1e7: {  	s18 =	sadd.s32 $0xBE0, s10;
	s17 =	sor.u32 $0xE00, s11  }
0x1e8: {  	[hbm4b:s18+s2] =	stream.linear.scatter [tilespmem:s17], [sflag:$0x1], $0x80, $0x38;
	[tilespmem:$0x2200] =	vst v63  }
0x1e9: {  	s20 =	sadd.s32 $0xC60, s10;
	s19 =	sor.u32 $0x1000, s11  }
0x1ea: {  	[hbm4b:s20+s2] =	stream.linear.scatter [tilespmem:s19], [sflag:$0x1], $0x80, $0x38;
	[tilespmem:$0x2200] =	vst v63  }
0x1eb: {  	s21 =	sor.u32 $0x1200, s11;
	s22 =	sadd.s32 $0xCE0, s10  }
0x1ec: {  	[hbm4b:s22+s2] =	stream.linear.scatter [tilespmem:s21], [sflag:$0x1], $0x80, $0x38;
	[tilespmem:$0x2200] =	vst v63  }
0x1ed: {  	s23 =	sor.u32 $0x1400, s11;
	s24 =	sadd.s32 $0xD60, s10  }
0x1ee: {  	[hbm4b:s24+s2] =	stream.linear.scatter [tilespmem:s23], [sflag:$0x1], $0x80, $0x38;
	[tilespmem:$0x2200] =	vst v63  }
0x1ef: {  	s25 =	spop (v2sf);
	s26 =	sor.u32 $0x1600, s11;
	s28 =	sadd.s32 $0xDE0, s10  }
0x1f0: {  	[hbm4b:s28+s2] =	stream.linear.scatter [tilespmem:s26], [sflag:$0x1], $0x80, $0x38;
	[tilespmem:$0x2200] =	vst v63  }
0x1f1: {  	s12 =	sshll.u32 s25, $0x7;
	s30 =	sor.u32 $0x1800, s11;
	s31 =	sadd.s32 $0xE60, s10  }
0x1f2: {  	[hbm4b:s31+s2] =	stream.linear.scatter [tilespmem:s30], [sflag:$0x1], $0x80, $0x38;
	[tilespmem:$0x2200] =	vst v63  }
0x1f3: {  	s29 =	sshll.u32 s25, $0xB;
	s15 =	sor.u32 $0x1A00, s11;
	s16 =	sadd.s32 $0xEE0, s10  }
0x1f4: {  	[hbm4b:s16+s2] =	stream.linear.scatter [tilespmem:s15], [sflag:$0x1], $0x80, $0x38;
	[tilespmem:$0x2200] =	vst v63  }
0x1f5: {  	s12 =	sand.u32 $0x180, s12;
	s17 =	sor.u32 $0x1C00, s11;
	s18 =	sadd.s32 $0xF60, s10  }
0x1f6: {  	[hbm4b:s18+s2] =	stream.linear.scatter [tilespmem:s17], [sflag:$0x1], $0x80, $0x38;
	[tilespmem:$0x2200] =	vst v63  }
0x1f7: {  	s13 =	sand.u32 $0xFFFFE000, s29;
	s11 =	sor.u32 $0x1E00, s11;
	s19 =	sadd.s32 $0xFE0, s10  }
0x1f8: {  	[hbm4b:s19+s2] =	stream.linear.scatter [tilespmem:s11], [sflag:$0x1], $0x80, $0x38;
	[tilespmem:$0x2200] =	vst v63  }
0x1f9: {  	s20 =	sadd.s32 $0x870, s10;
	s11 =	sor.u32 s12, s13  }
0x1fa: {  	[hbm4b:s20+s2] =	stream.linear.scatter [tilespmem:s11], [sflag:$0x1], $0x80, $0x38;
	[tilespmem:$0x2200] =	vst v63  }
0x1fb: {  	s22 =	sadd.s32 $0x8F0, s10;
	s21 =	sor.u32 $0x200, s11  }
0x1fc: {  	[hbm4b:s22+s2] =	stream.linear.scatter [tilespmem:s21], [sflag:$0x1], $0x80, $0x38;
	[tilespmem:$0x2200] =	vst v63  }
0x1fd: {  	s24 =	sadd.s32 $0x970, s10;
	s23 =	sor.u32 $0x400, s11  }
0x1fe: {  	[hbm4b:s24+s2] =	stream.linear.scatter [tilespmem:s23], [sflag:$0x1], $0x80, $0x38;
	[tilespmem:$0x2200] =	vst v63  }
0x1ff: {  	s26 =	sadd.s32 $0x9F0, s10;
	s25 =	sor.u32 $0x600, s11  }
0x200: {  	[hbm4b:s26+s2] =	stream.linear.scatter [tilespmem:s25], [sflag:$0x1], $0x80, $0x38;
	[tilespmem:$0x2200] =	vst v63  }
0x201: {  	s29 =	sadd.s32 $0xA70, s10;
	s28 =	sor.u32 $0x800, s11  }
0x202: {  	[hbm4b:s29+s2] =	stream.linear.scatter [tilespmem:s28], [sflag:$0x1], $0x80, $0x38;
	[tilespmem:$0x2200] =	vst v63  }
0x203: {  	s31 =	sadd.s32 $0xAF0, s10;
	s30 =	sor.u32 $0xA00, s11  }
0x204: {  	[hbm4b:s31+s2] =	stream.linear.scatter [tilespmem:s30], [sflag:$0x1], $0x80, $0x38;
	[tilespmem:$0x2200] =	vst v63  }
0x205: {  	s14 =	sadd.s32 $0xB70, s10;
	s13 =	sor.u32 $0xC00, s11  }
0x206: {  	[hbm4b:s14+s2] =	stream.linear.scatter [tilespmem:s13], [sflag:$0x1], $0x80, $0x38;
	[tilespmem:$0x2200] =	vst v63  }
0x207: {  	s16 =	sadd.s32 $0xBF0, s10;
	s15 =	sor.u32 $0xE00, s11  }
0x208: {  	[hbm4b:s16+s2] =	stream.linear.scatter [tilespmem:s15], [sflag:$0x1], $0x80, $0x38;
	[tilespmem:$0x2200] =	vst v63  }
0x209: {  	s18 =	sadd.s32 $0xC70, s10;
	s17 =	sor.u32 $0x1000, s11  }
0x20a: {  	[hbm4b:s18+s2] =	stream.linear.scatter [tilespmem:s17], [sflag:$0x1], $0x80, $0x38;
	[tilespmem:$0x2200] =	vst v63  }
0x20b: {  	s19 =	sor.u32 $0x1200, s11;
	s20 =	sadd.s32 $0xCF0, s10  }
0x20c: {  	[hbm4b:s20+s2] =	stream.linear.scatter [tilespmem:s19], [sflag:$0x1], $0x80, $0x38;
	[tilespmem:$0x2200] =	vst v63  }
0x20d: {  	s21 =	sor.u32 $0x1400, s11;
	s22 =	sadd.s32 $0xD70, s10  }
0x20e: {  	[hbm4b:s22+s2] =	stream.linear.scatter [tilespmem:s21], [sflag:$0x1], $0x80, $0x38;
	[tilespmem:$0x2200] =	vst v63  }
0x20f: {  	s23 =	sor.u32 $0x1600, s11;
	s24 =	sadd.s32 $0xDF0, s10  }
0x210: {  	[hbm4b:s24+s2] =	stream.linear.scatter [tilespmem:s23], [sflag:$0x1], $0x80, $0x38;
	[tilespmem:$0x2200] =	vst v63  }
0x211: {  	s25 =	sor.u32 $0x1800, s11;
	s26 =	sadd.s32 $0xE70, s10  }
0x212: {  	[hbm4b:s26+s2] =	stream.linear.scatter [tilespmem:s25], [sflag:$0x1], $0x80, $0x38;
	[tilespmem:$0x2200] =	vst v63  }
0x213: {  	s28 =	sor.u32 $0x1A00, s11;
	s29 =	sadd.s32 $0xEF0, s10  }
0x214: {  	[hbm4b:s29+s2] =	stream.linear.scatter [tilespmem:s28], [sflag:$0x1], $0x80, $0x38;
	[tilespmem:$0x2200] =	vst v63  }
0x215: {  	p1 =	por $0x1, $0x1;
	s30 =	sor.u32 $0x1C00, s11;
	s31 =	sadd.s32 $0xF70, s10  }
0x216: {  	[hbm4b:s31+s2] =	stream.linear.scatter [tilespmem:s30], [sflag:$0x1], $0x80, $0x38;
	[tilespmem:$0x2200] =	vst v63  }
0x217: {  	s12 =	simm.s32 @!p1 $0x1;
	s11 =	sor.u32 $0x1E00, s11;
	s10 =	sadd.s32 $0xFF0, s10  }
0x218: {  	[hbm4b:s10+s2] =	stream.linear.scatter [tilespmem:s11], [sflag:$0x1], $0x80, $0x38;
	[tilespmem:$0x2200] =	vst v63  }
0x219: {  	s10 =	simm.s32 $0x1000;
	_ =	swait.ge @!p1 [sflag:s12], $0x8000  }
.LBB2_2:
0x21a: {  	[sflag:s12] =	ssyncset.done @!p1 $0x0  }
0x21b: {  	s9 =	sadd.s32 $0x10, s9;
	[sflag:s12] =	ssyncadd.s32 @!p1 $0xFFFF8000  }
0x21c: {  	v0 =	vld [tilespmem:s9+$0x0];
	_ =	sdelay $0x4  }
0x21d: {  	(v2sf) =	vpush v0, $0x0;
	_ =	sdelay $0x8  }
0x21e: {  	(v2sf) =	vpush v0, $0x1;
	_ =	sdelay $0x3  }
0x21f: {  	(v2sf) =	vpush v0, $0x2;
	_ =	sdelay $0x1  }
0x220: {  	s11 =	smov.u32 s10;
	s13 =	spop (v2sf)  }
0x221: {  	s26 =	rddreg [dreg:$0x3];
	s14 =	sshll.u32 s13, $0xB;
	s13 =	sshll.u32 s13, $0x7  }
0x222: {  	s12 =	sadd.s32 s11, s26;
	s14 =	sand.u32 $0xFFFFE000, s14;
	s13 =	sand.u32 $0x180, s13  }
0x223: {  	s17 =	sadd.s32 $0x80, s12;
	s13 =	sor.u32 s13, s14  }
0x224: {  	[hbm4b:s12+s2] =	stream.linear.scatter [tilespmem:s13], [sflag:$0x1], $0x80, $0x38;
	[tilespmem:$0x2200] =	vst v63  }
0x225: {  	s31 =	sadd.s32 $0x100, s12;
	s18 =	sadd.s32 $0x180, s12;
	s29 =	sor.u32 $0x200, s13  }
0x226: {  	[hbm4b:s17+s2] =	stream.linear.scatter [tilespmem:s29], [sflag:$0x1], $0x80, $0x38;
	[tilespmem:$0x2200] =	vst v63  }
0x227: {  	s20 =	sadd.s32 $0x200, s12;
	s23 =	sadd.s32 $0x280, s12;
	s30 =	sor.u32 $0x400, s13  }
0x228: {  	[hbm4b:s31+s2] =	stream.linear.scatter [tilespmem:s30], [sflag:$0x1], $0x80, $0x38;
	[tilespmem:$0x2200] =	vst v63  }
0x229: {  	s25 =	sadd.s32 $0x300, s12;
	s15 =	spop (v2sf);
	s17 =	sor.u32 $0x600, s13  }
0x22a: {  	(v2sf) =	vpush v0, $0x3;
	[hbm4b:s18+s2] =	stream.linear.scatter [tilespmem:s17], [sflag:$0x1], $0x80, $0x38;
	[tilespmem:$0x2200] =	vst v63  }
0x22b: {  	s16 =	sshll.u32 s15, $0xB;
	s28 =	sshll.u32 s15, $0x7;
	s19 =	sor.u32 $0x800, s13  }
0x22c: {  	[hbm4b:s20+s2] =	stream.linear.scatter [tilespmem:s19], [sflag:$0x1], $0x80, $0x38;
	[tilespmem:$0x2200] =	vst v63  }
0x22d: {  	s21 =	spop (v2sf);
	s16 =	sand.u32 $0xFFFFE000, s16;
	s22 =	sor.u32 $0xA00, s13  }
0x22e: {  	[hbm4b:s23+s2] =	stream.linear.scatter [tilespmem:s22], [sflag:$0x1], $0x80, $0x38;
	[tilespmem:$0x2200] =	vst v63  }
0x22f: {  	s14 =	sand.u32 $0x180, s28;
	s28 =	sadd.s32 $0x380, s12;
	s24 =	sor.u32 $0xC00, s13  }
0x230: {  	[hbm4b:s25+s2] =	stream.linear.scatter [tilespmem:s24], [sflag:$0x1], $0x80, $0x38;
	[tilespmem:$0x2200] =	vst v63  }
0x231: {  	s26 =	sor.u32 $0xE00, s13;
	s29 =	sor.u32 $0x1000, s13;
	s30 =	sadd.s32 $0x400, s12  }
0x232: {  	[hbm4b:s28+s2] =	stream.linear.scatter [tilespmem:s26], [sflag:$0x1], $0x80, $0x38;
	[tilespmem:$0x2200] =	vst v63  }
0x233: {  	s31 =	sor.u32 $0x1200, s13;
	s18 =	sshll.u32 s21, $0xB;
	s17 =	sshll.u32 s21, $0x7  }
0x234: {  	[hbm4b:s30+s2] =	stream.linear.scatter [tilespmem:s29], [sflag:$0x1], $0x80, $0x38;
	[tilespmem:$0x2200] =	vst v63  }
0x235: {  	s18 =	sand.u32 $0xFFFFE000, s18;
	s17 =	sand.u32 $0x180, s17;
	s19 =	sadd.s32 $0x480, s12  }
0x236: {  	(v2sf) =	vpush v0, $0x4;
	[hbm4b:s19+s2] =	stream.linear.scatter [tilespmem:s31], [sflag:$0x1], $0x80, $0x38;
	[tilespmem:$0x2200] =	vst v63  }
0x237: {  	s15 =	sor.u32 s17, s18;
	s18 =	sor.u32 $0x1400, s13;
	s19 =	sadd.s32 $0x500, s12  }
0x238: {  	[hbm4b:s19+s2] =	stream.linear.scatter [tilespmem:s18], [sflag:$0x1], $0x80, $0x38;
	[tilespmem:$0x2200] =	vst v63  }
0x239: {  	s21 =	sor.u32 $0x1600, s13;
	s22 =	sadd.s32 $0x580, s12;
	s20 =	spop (v2sf)  }
0x23a: {  	[hbm4b:s22+s2] =	stream.linear.scatter [tilespmem:s21], [sflag:$0x1], $0x80, $0x38;
	[tilespmem:$0x2200] =	vst v63  }
0x23b: {  	s24 =	sor.u32 $0x1800, s13;
	s25 =	sadd.s32 $0x600, s12;
	s23 =	sshll.u32 s20, $0xB  }
0x23c: {  	[hbm4b:s25+s2] =	stream.linear.scatter [tilespmem:s24], [sflag:$0x1], $0x80, $0x38;
	[tilespmem:$0x2200] =	vst v63  }
0x23d: {  	s26 =	sor.u32 $0x1A00, s13;
	s28 =	sadd.s32 $0x680, s12;
	s29 =	sor.u32 $0x1C00, s13  }
0x23e: {  	[hbm4b:s28+s2] =	stream.linear.scatter [tilespmem:s26], [sflag:$0x1], $0x80, $0x38;
	[tilespmem:$0x2200] =	vst v63  }
0x23f: {  	s30 =	sadd.s32 $0x700, s12;
	s13 =	sor.u32 $0x1E00, s13;
	s18 =	sshll.u32 s20, $0x7  }
0x240: {  	[hbm4b:s30+s2] =	stream.linear.scatter [tilespmem:s29], [sflag:$0x1], $0x80, $0x38;
	[tilespmem:$0x2200] =	vst v63  }
0x241: {  	s31 =	sadd.s32 $0x780, s12;
	s19 =	sand.u32 $0xFFFFE000, s23;
	s18 =	sand.u32 $0x180, s18  }
0x242: {  	(v2sf) =	vpush v0, $0x5;
	[hbm4b:s31+s2] =	stream.linear.scatter [tilespmem:s13], [sflag:$0x1], $0x80, $0x38;
	[tilespmem:$0x2200] =	vst v63  }
0x243: {  	s16 =	sor.u32 s14, s16;
	s14 =	sor.u32 s18, s19;
	s19 =	sadd.s32 $0x10, s12  }
0x244: {  	[hbm4b:s19+s2] =	stream.linear.scatter [tilespmem:s16], [sflag:$0x1], $0x80, $0x38;
	[tilespmem:$0x2200] =	vst v63  }
0x245: {  	s20 =	spop (v2sf);
	s21 =	sor.u32 $0x200, s16;
	s22 =	sadd.s32 $0x90, s12  }
0x246: {  	[hbm4b:s22+s2] =	stream.linear.scatter [tilespmem:s21], [sflag:$0x1], $0x80, $0x38;
	[tilespmem:$0x2200] =	vst v63  }
0x247: {  	s23 =	sshll.u32 s20, $0xB;
	s24 =	sor.u32 $0x400, s16;
	s25 =	sadd.s32 $0x110, s12  }
0x248: {  	[hbm4b:s25+s2] =	stream.linear.scatter [tilespmem:s24], [sflag:$0x1], $0x80, $0x38;
	[tilespmem:$0x2200] =	vst v63  }
0x249: {  	s17 =	sshll.u32 s20, $0x7;
	s26 =	sor.u32 $0x600, s16;
	s28 =	sadd.s32 $0x190, s12  }
0x24a: {  	[hbm4b:s28+s2] =	stream.linear.scatter [tilespmem:s26], [sflag:$0x1], $0x80, $0x38;
	[tilespmem:$0x2200] =	vst v63  }
0x24b: {  	s20 =	sadd.s32 $0x290, s12;
	s29 =	sor.u32 $0x800, s16;
	s30 =	sadd.s32 $0x210, s12  }
0x24c: {  	[hbm4b:s30+s2] =	stream.linear.scatter [tilespmem:s29], [sflag:$0x1], $0x80, $0x38;
	[tilespmem:$0x2200] =	vst v63  }
0x24d: {  	s17 =	sand.u32 $0x180, s17;
	s18 =	sor.u32 $0x1400, s16;
	s31 =	sor.u32 $0xA00, s16  }
0x24e: {  	[hbm4b:s20+s2] =	stream.linear.scatter [tilespmem:s31], [sflag:$0x1], $0x80, $0x38;
	[tilespmem:$0x2200] =	vst v63  }
0x24f: {  	s19 =	sand.u32 $0xFFFFE000, s23;
	s21 =	sor.u32 $0xC00, s16;
	s22 =	sadd.s32 $0x310, s12  }
0x250: {  	(v2sf) =	vpush v0, $0x6;
	[hbm4b:s22+s2] =	stream.linear.scatter [tilespmem:s21], [sflag:$0x1], $0x80, $0x38;
	[tilespmem:$0x2200] =	vst v63  }
0x251: {  	s23 =	spop (v2sf);
	s24 =	sor.u32 $0xE00, s16;
	s25 =	sadd.s32 $0x390, s12  }
0x252: {  	[hbm4b:s25+s2] =	stream.linear.scatter [tilespmem:s24], [sflag:$0x1], $0x80, $0x38;
	[tilespmem:$0x2200] =	vst v63  }
0x253: {  	s13 =	sor.u32 s17, s19;
	s28 =	sor.u32 $0x1000, s16;
	s29 =	sadd.s32 $0x410, s12  }
0x254: {  	[hbm4b:s29+s2] =	stream.linear.scatter [tilespmem:s28], [sflag:$0x1], $0x80, $0x38;
	[tilespmem:$0x2200] =	vst v63  }
0x255: {  	s19 =	sshll.u32 s23, $0x7;
	s30 =	sor.u32 $0x1200, s16;
	s31 =	sadd.s32 $0x490, s12  }
0x256: {  	(v2sf) =	vpush v0, $0x7;
	[hbm4b:s31+s2] =	stream.linear.scatter [tilespmem:s30], [sflag:$0x1], $0x80, $0x38;
	[tilespmem:$0x2200] =	vst v63  }
0x257: {  	s19 =	sand.u32 $0x180, s19;
	s26 =	sshll.u32 s23, $0xB;
	s21 =	sadd.s32 $0x510, s12  }
0x258: {  	[hbm4b:s21+s2] =	stream.linear.scatter [tilespmem:s18], [sflag:$0x1], $0x80, $0x38;
	[tilespmem:$0x2200] =	vst v63  }
0x259: {  	s23 =	sadd.s32 $0x590, s12;
	s20 =	sand.u32 $0xFFFFE000, s26;
	s22 =	sor.u32 $0x1600, s16  }
0x25a: {  	[hbm4b:s23+s2] =	stream.linear.scatter [tilespmem:s22], [sflag:$0x1], $0x80, $0x38;
	[tilespmem:$0x2200] =	vst v63  }
0x25b: {  	s26 =	sor.u32 s19, s20;
	s24 =	sor.u32 $0x1800, s16;
	s25 =	sadd.s32 $0x610, s12  }
0x25c: {  	[hbm4b:s25+s2] =	stream.linear.scatter [tilespmem:s24], [sflag:$0x1], $0x80, $0x38;
	[tilespmem:$0x2200] =	vst v63  }
0x25d: {  	s20 =	sor.u32 $0x400, s15;
	s29 =	sor.u32 $0x1A00, s16;
	s30 =	sadd.s32 $0x690, s12  }
0x25e: {  	[hbm4b:s30+s2] =	stream.linear.scatter [tilespmem:s29], [sflag:$0x1], $0x80, $0x38;
	[tilespmem:$0x2200] =	vst v63  }
0x25f: {  	s28 =	spop (v2sf);
	s21 =	sor.u32 $0x1C00, s16;
	s22 =	sadd.s32 $0x710, s12  }
0x260: {  	[hbm4b:s22+s2] =	stream.linear.scatter [tilespmem:s21], [sflag:$0x1], $0x80, $0x38;
	[tilespmem:$0x2200] =	vst v63  }
0x261: {  	s31 =	sshll.u32 s28, $0xB;
	s16 =	sor.u32 $0x1E00, s16;
	s23 =	sadd.s32 $0x790, s12  }
0x262: {  	(v2sf) =	vpush v0, $0x8;
	[hbm4b:s23+s2] =	stream.linear.scatter [tilespmem:s16], [sflag:$0x1], $0x80, $0x38;
	[tilespmem:$0x2200] =	vst v63  }
0x263: {  	s19 =	sshll.u32 s28, $0x7;
	s24 =	sand.u32 $0xFFFFE000, s31;
	s25 =	sadd.s32 $0x20, s12  }
0x264: {  	[hbm4b:s25+s2] =	stream.linear.scatter [tilespmem:s15], [sflag:$0x1], $0x80, $0x38;
	[tilespmem:$0x2200] =	vst v63  }
0x265: {  	s31 =	sadd.s32 $0xA0, s12;
	s29 =	spop (v2sf);
	s30 =	sor.u32 $0x200, s15  }
0x266: {  	[hbm4b:s31+s2] =	stream.linear.scatter [tilespmem:s30], [sflag:$0x1], $0x80, $0x38;
	[tilespmem:$0x2200] =	vst v63  }
0x267: {  	s28 =	sand.u32 $0x180, s19;
	s19 =	sshll.u32 s29, $0x7;
	s21 =	sadd.s32 $0x120, s12  }
0x268: {  	[hbm4b:s21+s2] =	stream.linear.scatter [tilespmem:s20], [sflag:$0x1], $0x80, $0x38;
	[tilespmem:$0x2200] =	vst v63  }
0x269: {  	s23 =	sor.u32 s28, s24;
	s24 =	sor.u32 $0x600, s15;
	s25 =	sadd.s32 $0x1A0, s12  }
0x26a: {  	[hbm4b:s25+s2] =	stream.linear.scatter [tilespmem:s24], [sflag:$0x1], $0x80, $0x38;
	[tilespmem:$0x2200] =	vst v63  }
0x26b: {  	s22 =	sshll.u32 s29, $0xB;
	s29 =	sadd.s32 $0x220, s12;
	s28 =	sor.u32 $0x800, s15  }
0x26c: {  	[hbm4b:s29+s2] =	stream.linear.scatter [tilespmem:s28], [sflag:$0x1], $0x80, $0x38;
	[tilespmem:$0x2200] =	vst v63  }
0x26d: {  	s17 =	sor.u32 $0xC00, s15;
	s30 =	sor.u32 $0xA00, s15;
	s31 =	sadd.s32 $0x2A0, s12  }
0x26e: {  	[hbm4b:s31+s2] =	stream.linear.scatter [tilespmem:s30], [sflag:$0x1], $0x80, $0x38;
	[tilespmem:$0x2200] =	vst v63  }
0x26f: {  	s18 =	sadd.s32 $0x320, s12;
	s20 =	sor.u32 $0xE00, s15;
	s21 =	sadd.s32 $0x3A0, s12  }
0x270: {  	(v2sf) =	vpush v0, $0x9;
	[hbm4b:s18+s2] =	stream.linear.scatter [tilespmem:s17], [sflag:$0x1], $0x80, $0x38;
	[tilespmem:$0x2200] =	vst v63  }
0x271: {  	s24 =	sand.u32 $0xFFFFE000, s22;
	s25 =	sand.u32 $0x180, s19;
	s19 =	spop (v2sf)  }
0x272: {  	[hbm4b:s21+s2] =	stream.linear.scatter [tilespmem:s20], [sflag:$0x1], $0x80, $0x38;
	[tilespmem:$0x2200] =	vst v63  }
0x273: {  	s22 =	sshll.u32 s19, $0xB;
	s28 =	sor.u32 $0x1000, s15;
	s29 =	sadd.s32 $0x420, s12  }
0x274: {  	(v2sf) =	vpush v0, $0xA;
	[hbm4b:s29+s2] =	stream.linear.scatter [tilespmem:s28], [sflag:$0x1], $0x80, $0x38;
	[tilespmem:$0x2200] =	vst v63  }
0x275: {  	s30 =	sor.u32 $0x1200, s15;
	s31 =	sadd.s32 $0x4A0, s12;
	s18 =	sshll.u32 s19, $0x7  }
0x276: {  	[hbm4b:s31+s2] =	stream.linear.scatter [tilespmem:s30], [sflag:$0x1], $0x80, $0x38;
	[tilespmem:$0x2200] =	vst v63  }
0x277: {  	s19 =	sand.u32 $0xFFFFE000, s22;
	s17 =	sor.u32 $0x1400, s15;
	s20 =	sadd.s32 $0x520, s12  }
0x278: {  	[hbm4b:s20+s2] =	stream.linear.scatter [tilespmem:s17], [sflag:$0x1], $0x80, $0x38;
	[tilespmem:$0x2200] =	vst v63  }
0x279: {  	s18 =	sand.u32 $0x180, s18;
	s21 =	sor.u32 $0x1600, s15;
	s28 =	sadd.s32 $0x5A0, s12  }
0x27a: {  	[hbm4b:s28+s2] =	stream.linear.scatter [tilespmem:s21], [sflag:$0x1], $0x80, $0x38;
	[tilespmem:$0x2200] =	vst v63  }
0x27b: {  	s22 =	sor.u32 s18, s19;
	s29 =	sor.u32 $0x1800, s15;
	s30 =	sadd.s32 $0x620, s12  }
0x27c: {  	[hbm4b:s30+s2] =	stream.linear.scatter [tilespmem:s29], [sflag:$0x1], $0x80, $0x38;
	[tilespmem:$0x2200] =	vst v63  }
0x27d: {  	s19 =	sor.u32 $0x1A00, s15;
	s18 =	sadd.s32 $0x30, s12;
	s20 =	sadd.s32 $0x6A0, s12  }
0x27e: {  	[hbm4b:s20+s2] =	stream.linear.scatter [tilespmem:s19], [sflag:$0x1], $0x80, $0x38;
	[tilespmem:$0x2200] =	vst v63  }
0x27f: {  	s31 =	spop (v2sf);
	s28 =	sor.u32 $0x1C00, s15;
	s29 =	sadd.s32 $0x720, s12  }
0x280: {  	[hbm4b:s29+s2] =	stream.linear.scatter [tilespmem:s28], [sflag:$0x1], $0x80, $0x38;
	[tilespmem:$0x2200] =	vst v63  }
0x281: {  	s21 =	sshll.u32 s31, $0xB;
	s15 =	sor.u32 $0x1E00, s15;
	s30 =	sadd.s32 $0x7A0, s12  }
0x282: {  	(v2sf) =	vpush v0, $0xB;
	[hbm4b:s30+s2] =	stream.linear.scatter [tilespmem:s15], [sflag:$0x1], $0x80, $0x38;
	[tilespmem:$0x2200] =	vst v63  }
0x283: {  	s17 =	spop (v2sf);
	s31 =	sshll.u32 s31, $0x7;
	s19 =	sand.u32 $0xFFFFE000, s21  }
0x284: {  	[hbm4b:s18+s2] =	stream.linear.scatter [tilespmem:s14], [sflag:$0x1], $0x80, $0x38;
	[tilespmem:$0x2200] =	vst v63  }
0x285: {  	s20 =	sand.u32 $0x180, s31;
	s21 =	sor.u32 $0x200, s14;
	s28 =	sadd.s32 $0xB0, s12  }
0x286: {  	[hbm4b:s28+s2] =	stream.linear.scatter [tilespmem:s21], [sflag:$0x1], $0x80, $0x38;
	[tilespmem:$0x2200] =	vst v63  }
0x287: {  	s31 =	sshll.u32 s17, $0xB;
	s29 =	sor.u32 $0x400, s14;
	s30 =	sadd.s32 $0x130, s12  }
0x288: {  	[hbm4b:s30+s2] =	stream.linear.scatter [tilespmem:s29], [sflag:$0x1], $0x80, $0x38;
	[tilespmem:$0x2200] =	vst v63  }
0x289: {  	s19 =	sor.u32 s20, s19;
	s20 =	sor.u32 $0x600, s14;
	s21 =	sadd.s32 $0x1B0, s12  }
0x28a: {  	[hbm4b:s21+s2] =	stream.linear.scatter [tilespmem:s20], [sflag:$0x1], $0x80, $0x38;
	[tilespmem:$0x2200] =	vst v63  }
0x28b: {  	s17 =	sshll.u32 s17, $0x7;
	s28 =	sor.u32 $0x800, s14;
	s29 =	sadd.s32 $0x230, s12  }
0x28c: {  	[hbm4b:s29+s2] =	stream.linear.scatter [tilespmem:s28], [sflag:$0x1], $0x80, $0x38;
	[tilespmem:$0x2200] =	vst v63  }
0x28d: {  	s30 =	sor.u32 $0xA00, s14;
	s20 =	sand.u32 $0xFFFFE000, s31;
	s31 =	sadd.s32 $0x2B0, s12  }
0x28e: {  	[hbm4b:s31+s2] =	stream.linear.scatter [tilespmem:s30], [sflag:$0x1], $0x80, $0x38;
	[tilespmem:$0x2200] =	vst v63  }
0x28f: {  	s18 =	sor.u32 $0xC00, s14;
	s21 =	sand.u32 $0x180, s17;
	s28 =	sadd.s32 $0x330, s12  }
0x290: {  	(v2sf) =	vpush v0, $0xC;
	[hbm4b:s28+s2] =	stream.linear.scatter [tilespmem:s18], [sflag:$0x1], $0x80, $0x38;
	[tilespmem:$0x2200] =	vst v63  }
0x291: {  	s17 =	spop (v2sf);
	s29 =	sor.u32 $0xE00, s14;
	s30 =	sadd.s32 $0x3B0, s12  }
0x292: {  	[hbm4b:s30+s2] =	stream.linear.scatter [tilespmem:s29], [sflag:$0x1], $0x80, $0x38;
	[tilespmem:$0x2200] =	vst v63  }
0x293: {  	s31 =	sshll.u32 s17, $0xB;
	s28 =	sor.u32 $0x1000, s14;
	s29 =	sadd.s32 $0x430, s12  }
0x294: {  	[hbm4b:s29+s2] =	stream.linear.scatter [tilespmem:s28], [sflag:$0x1], $0x80, $0x38;
	[tilespmem:$0x2200] =	vst v63  }
0x295: {  	s18 =	sand.u32 $0xFFFFE000, s31;
	s31 =	sadd.s32 $0x4B0, s12;
	s30 =	sor.u32 $0x1200, s14  }
0x296: {  	(v2sf) =	vpush v0, $0xD;
	[hbm4b:s31+s2] =	stream.linear.scatter [tilespmem:s30], [sflag:$0x1], $0x80, $0x38;
	[tilespmem:$0x2200] =	vst v63  }
0x297: {  	s16 =	sor.u32 $0x1C00, s14;
	s28 =	sor.u32 $0x1400, s14;
	s29 =	sadd.s32 $0x530, s12  }
0x298: {  	[hbm4b:s29+s2] =	stream.linear.scatter [tilespmem:s28], [sflag:$0x1], $0x80, $0x38;
	[tilespmem:$0x2200] =	vst v63  }
0x299: {  	s17 =	sshll.u32 s17, $0x7;
	s30 =	sor.u32 $0x1600, s14;
	s31 =	sadd.s32 $0x5B0, s12  }
0x29a: {  	[hbm4b:s31+s2] =	stream.linear.scatter [tilespmem:s30], [sflag:$0x1], $0x80, $0x38;
	[tilespmem:$0x2200] =	vst v63  }
0x29b: {  	s17 =	sand.u32 $0x180, s17;
	s28 =	sor.u32 $0x1800, s14;
	s29 =	sadd.s32 $0x630, s12  }
0x29c: {  	[hbm4b:s29+s2] =	stream.linear.scatter [tilespmem:s28], [sflag:$0x1], $0x80, $0x38;
	[tilespmem:$0x2200] =	vst v63  }
0x29d: {  	s18 =	sor.u32 s17, s18;
	s30 =	sor.u32 $0x1A00, s14;
	s31 =	sadd.s32 $0x6B0, s12  }
0x29e: {  	[hbm4b:s31+s2] =	stream.linear.scatter [tilespmem:s30], [sflag:$0x1], $0x80, $0x38;
	[tilespmem:$0x2200] =	vst v63  }
0x29f: {  	s17 =	spop (v2sf);
	s14 =	sor.u32 $0x1E00, s14;
	s29 =	sadd.s32 $0x730, s12  }
0x2a0: {  	[hbm4b:s29+s2] =	stream.linear.scatter [tilespmem:s16], [sflag:$0x1], $0x80, $0x38;
	[tilespmem:$0x2200] =	vst v63  }
0x2a1: {  	s28 =	sshll.u32 s17, $0xB;
	s30 =	sadd.s32 $0x7B0, s12;
	s31 =	sshll.u32 s17, $0x7  }
0x2a2: {  	[hbm4b:s30+s2] =	stream.linear.scatter [tilespmem:s14], [sflag:$0x1], $0x80, $0x38;
	[tilespmem:$0x2200] =	vst v63  }
0x2a3: {  	s28 =	sand.u32 $0xFFFFE000, s28;
	s17 =	sadd.s32 $0x40, s12;
	s29 =	sand.u32 $0x180, s31  }
0x2a4: {  	(v2sf) =	vpush v0, $0xE;
	[hbm4b:s17+s2] =	stream.linear.scatter [tilespmem:s13], [sflag:$0x1], $0x80, $0x38;
	[tilespmem:$0x2200] =	vst v63  }
0x2a5: {  	s16 =	spop (v2sf);
	s31 =	sadd.s32 $0xC0, s12;
	s30 =	sor.u32 $0x200, s13  }
0x2a6: {  	[hbm4b:s31+s2] =	stream.linear.scatter [tilespmem:s30], [sflag:$0x1], $0x80, $0x38;
	[tilespmem:$0x2200] =	vst v63  }
0x2a7: {  	s15 =	sor.u32 s29, s28;
	s29 =	sadd.s32 $0x140, s12;
	s17 =	sor.u32 $0x400, s13  }
0x2a8: {  	[hbm4b:s29+s2] =	stream.linear.scatter [tilespmem:s17], [sflag:$0x1], $0x80, $0x38;
	[tilespmem:$0x2200] =	vst v63  }
0x2a9: {  	s28 =	sshll.u32 s16, $0xB;
	s30 =	sor.u32 $0x600, s13;
	s31 =	sadd.s32 $0x1C0, s12  }
0x2aa: {  	[hbm4b:s31+s2] =	stream.linear.scatter [tilespmem:s30], [sflag:$0x1], $0x80, $0x38;
	[tilespmem:$0x2200] =	vst v63  }
0x2ab: {  	s14 =	sor.u32 $0xE00, s13;
	s17 =	sor.u32 $0x800, s13;
	s30 =	sadd.s32 $0x240, s12  }
0x2ac: {  	[hbm4b:s30+s2] =	stream.linear.scatter [tilespmem:s17], [sflag:$0x1], $0x80, $0x38;
	[tilespmem:$0x2200] =	vst v63  }
0x2ad: {  	s29 =	sshll.u32 s16, $0x7;
	s31 =	sor.u32 $0xA00, s13;
	s30 =	sadd.s32 $0x2C0, s12  }
0x2ae: {  	(v2sf) =	vpush v0, $0xF;
	[hbm4b:s30+s2] =	stream.linear.scatter [tilespmem:s31], [sflag:$0x1], $0x80, $0x38;
	[tilespmem:$0x2200] =	vst v63  }
0x2af: {  	s16 =	sand.u32 $0xFFFFE000, s28;
	s31 =	sor.u32 $0xC00, s13;
	s30 =	sadd.s32 $0x340, s12  }
0x2b0: {  	[hbm4b:s30+s2] =	stream.linear.scatter [tilespmem:s31], [sflag:$0x1], $0x80, $0x38;
	[tilespmem:$0x2200] =	vst v63  }
0x2b1: {  	s28 =	sor.u32 $0x1600, s13;
	s17 =	sand.u32 $0x180, s29;
	s31 =	sadd.s32 $0x3C0, s12  }
0x2b2: {  	[hbm4b:s31+s2] =	stream.linear.scatter [tilespmem:s14], [sflag:$0x1], $0x80, $0x38;
	[tilespmem:$0x2200] =	vst v63  }
0x2b3: {  	s29 =	spop (v2sf);
	s14 =	sor.u32 $0x1000, s13;
	s31 =	sadd.s32 $0x440, s12  }
0x2b4: {  	[hbm4b:s31+s2] =	stream.linear.scatter [tilespmem:s14], [sflag:$0x1], $0x80, $0x38;
	[tilespmem:$0x2200] =	vst v63  }
0x2b5: {  	s30 =	sshll.u32 s29, $0xB;
	s14 =	sor.u32 $0x1200, s13;
	s31 =	sadd.s32 $0x4C0, s12  }
0x2b6: {  	[hbm4b:s31+s2] =	stream.linear.scatter [tilespmem:s14], [sflag:$0x1], $0x80, $0x38;
	[tilespmem:$0x2200] =	vst v63  }
0x2b7: {  	s29 =	sshll.u32 s29, $0x7;
	s14 =	sor.u32 $0x1400, s13;
	s31 =	sadd.s32 $0x540, s12  }
0x2b8: {  	[hbm4b:s31+s2] =	stream.linear.scatter [tilespmem:s14], [sflag:$0x1], $0x80, $0x38;
	[tilespmem:$0x2200] =	vst v63  }
0x2b9: {  	s30 =	sand.u32 $0xFFFFE000, s30;
	s29 =	sand.u32 $0x180, s29;
	s31 =	sadd.s32 $0x5C0, s12  }
0x2ba: {  	[hbm4b:s31+s2] =	stream.linear.scatter [tilespmem:s28], [sflag:$0x1], $0x80, $0x38;
	[tilespmem:$0x2200] =	vst v63  }
0x2bb: {  	s14 =	sor.u32 s29, s30;
	s28 =	sor.u32 $0x1800, s13;
	s31 =	sadd.s32 $0x640, s12  }
0x2bc: {  	[hbm4b:s31+s2] =	stream.linear.scatter [tilespmem:s28], [sflag:$0x1], $0x80, $0x38;
	[tilespmem:$0x2200] =	vst v63  }
0x2bd: {  	s30 =	spop (v2sf);
	s29 =	sadd.s32 $0x6C0, s12;
	s28 =	sor.u32 $0x1A00, s13  }
0x2be: {  	[hbm4b:s29+s2] =	stream.linear.scatter [tilespmem:s28], [sflag:$0x1], $0x80, $0x38;
	[tilespmem:$0x2200] =	vst v63  }
0x2bf: {  	s31 =	sshll.u32 s30, $0xB;
	s28 =	sor.u32 $0x1C00, s13;
	s29 =	sadd.s32 $0x740, s12  }
0x2c0: {  	[hbm4b:s29+s2] =	stream.linear.scatter [tilespmem:s28], [sflag:$0x1], $0x80, $0x38;
	[tilespmem:$0x2200] =	vst v63  }
0x2c1: {  	s30 =	sshll.u32 s30, $0x7;
	s13 =	sor.u32 $0x1E00, s13;
	s28 =	sadd.s32 $0x7C0, s12  }
0x2c2: {  	[hbm4b:s28+s2] =	stream.linear.scatter [tilespmem:s13], [sflag:$0x1], $0x80, $0x38;
	[tilespmem:$0x2200] =	vst v63  }
0x2c3: {  	s29 =	sand.u32 $0x180, s30;
	s30 =	sadd.s32 $0x50, s12  }
0x2c4: {  	[hbm4b:s30+s2] =	stream.linear.scatter [tilespmem:s26], [sflag:$0x1], $0x80, $0x38;
	[tilespmem:$0x2200] =	vst v63  }
0x2c5: {  	s28 =	sand.u32 $0xFFFFE000, s31;
	s31 =	sadd.s32 $0xD0, s12;
	s30 =	sor.u32 $0x200, s26  }
0x2c6: {  	[hbm4b:s31+s2] =	stream.linear.scatter [tilespmem:s30], [sflag:$0x1], $0x80, $0x38;
	[tilespmem:$0x2200] =	vst v63  }
0x2c7: {  	s31 =	sor.u32 $0x400, s26;
	s30 =	sadd.s32 $0x150, s12  }
0x2c8: {  	[hbm4b:s30+s2] =	stream.linear.scatter [tilespmem:s31], [sflag:$0x1], $0x80, $0x38;
	[tilespmem:$0x2200] =	vst v63  }
0x2c9: {  	s31 =	sor.u32 $0x600, s26;
	s30 =	sadd.s32 $0x1D0, s12  }
0x2ca: {  	[hbm4b:s30+s2] =	stream.linear.scatter [tilespmem:s31], [sflag:$0x1], $0x80, $0x38;
	[tilespmem:$0x2200] =	vst v63  }
0x2cb: {  	s31 =	sor.u32 $0x800, s26;
	s30 =	sadd.s32 $0x250, s12  }
0x2cc: {  	[hbm4b:s30+s2] =	stream.linear.scatter [tilespmem:s31], [sflag:$0x1], $0x80, $0x38;
	[tilespmem:$0x2200] =	vst v63  }
0x2cd: {  	s31 =	sor.u32 $0xA00, s26;
	s30 =	sadd.s32 $0x2D0, s12  }
0x2ce: {  	[hbm4b:s30+s2] =	stream.linear.scatter [tilespmem:s31], [sflag:$0x1], $0x80, $0x38;
	[tilespmem:$0x2200] =	vst v63  }
0x2cf: {  	s31 =	sor.u32 $0xC00, s26;
	s30 =	sadd.s32 $0x350, s12  }
0x2d0: {  	[hbm4b:s30+s2] =	stream.linear.scatter [tilespmem:s31], [sflag:$0x1], $0x80, $0x38;
	[tilespmem:$0x2200] =	vst v63  }
0x2d1: {  	s31 =	sor.u32 $0xE00, s26;
	s30 =	sadd.s32 $0x3D0, s12  }
0x2d2: {  	[hbm4b:s30+s2] =	stream.linear.scatter [tilespmem:s31], [sflag:$0x1], $0x80, $0x38;
	[tilespmem:$0x2200] =	vst v63  }
0x2d3: {  	s31 =	sor.u32 $0x1000, s26;
	s30 =	sadd.s32 $0x450, s12  }
0x2d4: {  	[hbm4b:s30+s2] =	stream.linear.scatter [tilespmem:s31], [sflag:$0x1], $0x80, $0x38;
	[tilespmem:$0x2200] =	vst v63  }
0x2d5: {  	s31 =	sor.u32 $0x1200, s26;
	s30 =	sadd.s32 $0x4D0, s12  }
0x2d6: {  	[hbm4b:s30+s2] =	stream.linear.scatter [tilespmem:s31], [sflag:$0x1], $0x80, $0x38;
	[tilespmem:$0x2200] =	vst v63  }
0x2d7: {  	s31 =	sor.u32 $0x1400, s26;
	s30 =	sadd.s32 $0x550, s12  }
0x2d8: {  	[hbm4b:s30+s2] =	stream.linear.scatter [tilespmem:s31], [sflag:$0x1], $0x80, $0x38;
	[tilespmem:$0x2200] =	vst v63  }
0x2d9: {  	s31 =	sor.u32 $0x1600, s26;
	s30 =	sadd.s32 $0x5D0, s12  }
0x2da: {  	[hbm4b:s30+s2] =	stream.linear.scatter [tilespmem:s31], [sflag:$0x1], $0x80, $0x38;
	[tilespmem:$0x2200] =	vst v63  }
0x2db: {  	s31 =	sor.u32 $0x1800, s26;
	s30 =	sadd.s32 $0x650, s12  }
0x2dc: {  	[hbm4b:s30+s2] =	stream.linear.scatter [tilespmem:s31], [sflag:$0x1], $0x80, $0x38;
	[tilespmem:$0x2200] =	vst v63  }
0x2dd: {  	s31 =	sor.u32 $0x1A00, s26;
	s30 =	sadd.s32 $0x6D0, s12  }
0x2de: {  	[hbm4b:s30+s2] =	stream.linear.scatter [tilespmem:s31], [sflag:$0x1], $0x80, $0x38;
	[tilespmem:$0x2200] =	vst v63  }
0x2df: {  	s31 =	sor.u32 $0x1C00, s26;
	s30 =	sadd.s32 $0x750, s12  }
0x2e0: {  	[hbm4b:s30+s2] =	stream.linear.scatter [tilespmem:s31], [sflag:$0x1], $0x80, $0x38;
	[tilespmem:$0x2200] =	vst v63  }
0x2e1: {  	s26 =	sor.u32 $0x1E00, s26;
	s31 =	sadd.s32 $0x7D0, s12  }
0x2e2: {  	[hbm4b:s31+s2] =	stream.linear.scatter [tilespmem:s26], [sflag:$0x1], $0x80, $0x38;
	[tilespmem:$0x2200] =	vst v63  }
0x2e3: {  	s13 =	sor.u32 s29, s28;
	s29 =	sadd.s32 $0x60, s12  }
0x2e4: {  	[hbm4b:s29+s2] =	stream.linear.scatter [tilespmem:s23], [sflag:$0x1], $0x80, $0x38;
	[tilespmem:$0x2200] =	vst v63  }
0x2e5: {  	s30 =	sor.u32 $0x200, s23;
	s31 =	sadd.s32 $0xE0, s12  }
0x2e6: {  	[hbm4b:s31+s2] =	stream.linear.scatter [tilespmem:s30], [sflag:$0x1], $0x80, $0x38;
	[tilespmem:$0x2200] =	vst v63  }
0x2e7: {  	s29 =	sor.u32 $0x400, s23;
	s30 =	sadd.s32 $0x160, s12  }
0x2e8: {  	[hbm4b:s30+s2] =	stream.linear.scatter [tilespmem:s29], [sflag:$0x1], $0x80, $0x38;
	[tilespmem:$0x2200] =	vst v63  }
0x2e9: {  	s31 =	sor.u32 $0x600, s23;
	s29 =	sadd.s32 $0x1E0, s12  }
0x2ea: {  	[hbm4b:s29+s2] =	stream.linear.scatter [tilespmem:s31], [sflag:$0x1], $0x80, $0x38;
	[tilespmem:$0x2200] =	vst v63  }
0x2eb: {  	s30 =	sor.u32 $0x800, s23;
	s31 =	sadd.s32 $0x260, s12  }
0x2ec: {  	[hbm4b:s31+s2] =	stream.linear.scatter [tilespmem:s30], [sflag:$0x1], $0x80, $0x38;
	[tilespmem:$0x2200] =	vst v63  }
0x2ed: {  	s29 =	sor.u32 $0xA00, s23;
	s30 =	sadd.s32 $0x2E0, s12  }
0x2ee: {  	[hbm4b:s30+s2] =	stream.linear.scatter [tilespmem:s29], [sflag:$0x1], $0x80, $0x38;
	[tilespmem:$0x2200] =	vst v63  }
0x2ef: {  	s31 =	sor.u32 $0xC00, s23;
	s29 =	sadd.s32 $0x360, s12  }
0x2f0: {  	[hbm4b:s29+s2] =	stream.linear.scatter [tilespmem:s31], [sflag:$0x1], $0x80, $0x38;
	[tilespmem:$0x2200] =	vst v63  }
0x2f1: {  	s30 =	sor.u32 $0xE00, s23;
	s31 =	sadd.s32 $0x3E0, s12  }
0x2f2: {  	[hbm4b:s31+s2] =	stream.linear.scatter [tilespmem:s30], [sflag:$0x1], $0x80, $0x38;
	[tilespmem:$0x2200] =	vst v63  }
0x2f3: {  	s29 =	sor.u32 $0x1000, s23;
	s30 =	sadd.s32 $0x460, s12  }
0x2f4: {  	[hbm4b:s30+s2] =	stream.linear.scatter [tilespmem:s29], [sflag:$0x1], $0x80, $0x38;
	[tilespmem:$0x2200] =	vst v63  }
0x2f5: {  	s31 =	sor.u32 $0x1200, s23;
	s29 =	sadd.s32 $0x4E0, s12  }
0x2f6: {  	[hbm4b:s29+s2] =	stream.linear.scatter [tilespmem:s31], [sflag:$0x1], $0x80, $0x38;
	[tilespmem:$0x2200] =	vst v63  }
0x2f7: {  	s30 =	sor.u32 $0x1400, s23;
	s31 =	sadd.s32 $0x560, s12  }
0x2f8: {  	[hbm4b:s31+s2] =	stream.linear.scatter [tilespmem:s30], [sflag:$0x1], $0x80, $0x38;
	[tilespmem:$0x2200] =	vst v63  }
0x2f9: {  	s29 =	sor.u32 $0x1600, s23;
	s30 =	sadd.s32 $0x5E0, s12  }
0x2fa: {  	[hbm4b:s30+s2] =	stream.linear.scatter [tilespmem:s29], [sflag:$0x1], $0x80, $0x38;
	[tilespmem:$0x2200] =	vst v63  }
0x2fb: {  	s31 =	sor.u32 $0x1800, s23;
	s29 =	sadd.s32 $0x660, s12  }
0x2fc: {  	[hbm4b:s29+s2] =	stream.linear.scatter [tilespmem:s31], [sflag:$0x1], $0x80, $0x38;
	[tilespmem:$0x2200] =	vst v63  }
0x2fd: {  	s30 =	sor.u32 $0x1A00, s23;
	s31 =	sadd.s32 $0x6E0, s12  }
0x2fe: {  	[hbm4b:s31+s2] =	stream.linear.scatter [tilespmem:s30], [sflag:$0x1], $0x80, $0x38;
	[tilespmem:$0x2200] =	vst v63  }
0x2ff: {  	s29 =	sor.u32 $0x1C00, s23;
	s30 =	sadd.s32 $0x760, s12  }
0x300: {  	[hbm4b:s30+s2] =	stream.linear.scatter [tilespmem:s29], [sflag:$0x1], $0x80, $0x38;
	[tilespmem:$0x2200] =	vst v63  }
0x301: {  	s23 =	sor.u32 $0x1E00, s23;
	s31 =	sadd.s32 $0x7E0, s12  }
0x302: {  	[hbm4b:s31+s2] =	stream.linear.scatter [tilespmem:s23], [sflag:$0x1], $0x80, $0x38;
	[tilespmem:$0x2200] =	vst v63  }
0x303: {  	s26 =	sadd.s32 $0x70, s12;
	s23 =	sor.u32 s25, s24  }
0x304: {  	[hbm4b:s26+s2] =	stream.linear.scatter [tilespmem:s23], [sflag:$0x1], $0x80, $0x38;
	[tilespmem:$0x2200] =	vst v63  }
0x305: {  	s29 =	sadd.s32 $0xF0, s12;
	s28 =	sor.u32 $0x200, s23  }
0x306: {  	[hbm4b:s29+s2] =	stream.linear.scatter [tilespmem:s28], [sflag:$0x1], $0x80, $0x38;
	[tilespmem:$0x2200] =	vst v63  }
0x307: {  	s31 =	sadd.s32 $0x170, s12;
	s30 =	sor.u32 $0x400, s23  }
0x308: {  	[hbm4b:s31+s2] =	stream.linear.scatter [tilespmem:s30], [sflag:$0x1], $0x80, $0x38;
	[tilespmem:$0x2200] =	vst v63  }
0x309: {  	s25 =	sor.u32 $0x600, s23;
	s26 =	sadd.s32 $0x1F0, s12  }
0x30a: {  	[hbm4b:s26+s2] =	stream.linear.scatter [tilespmem:s25], [sflag:$0x1], $0x80, $0x38;
	[tilespmem:$0x2200] =	vst v63  }
0x30b: {  	s28 =	sor.u32 $0x800, s23;
	s29 =	sadd.s32 $0x270, s12  }
0x30c: {  	[hbm4b:s29+s2] =	stream.linear.scatter [tilespmem:s28], [sflag:$0x1], $0x80, $0x38;
	[tilespmem:$0x2200] =	vst v63  }
0x30d: {  	s30 =	sor.u32 $0xA00, s23;
	s31 =	sadd.s32 $0x2F0, s12  }
0x30e: {  	[hbm4b:s31+s2] =	stream.linear.scatter [tilespmem:s30], [sflag:$0x1], $0x80, $0x38;
	[tilespmem:$0x2200] =	vst v63  }
0x30f: {  	s25 =	sor.u32 $0xC00, s23;
	s26 =	sadd.s32 $0x370, s12  }
0x310: {  	[hbm4b:s26+s2] =	stream.linear.scatter [tilespmem:s25], [sflag:$0x1], $0x80, $0x38;
	[tilespmem:$0x2200] =	vst v63  }
0x311: {  	s28 =	sor.u32 $0xE00, s23;
	s29 =	sadd.s32 $0x3F0, s12  }
0x312: {  	[hbm4b:s29+s2] =	stream.linear.scatter [tilespmem:s28], [sflag:$0x1], $0x80, $0x38;
	[tilespmem:$0x2200] =	vst v63  }
0x313: {  	s30 =	sor.u32 $0x1000, s23;
	s31 =	sadd.s32 $0x470, s12  }
0x314: {  	[hbm4b:s31+s2] =	stream.linear.scatter [tilespmem:s30], [sflag:$0x1], $0x80, $0x38;
	[tilespmem:$0x2200] =	vst v63  }
0x315: {  	s25 =	sor.u32 $0x1200, s23;
	s26 =	sadd.s32 $0x4F0, s12  }
0x316: {  	[hbm4b:s26+s2] =	stream.linear.scatter [tilespmem:s25], [sflag:$0x1], $0x80, $0x38;
	[tilespmem:$0x2200] =	vst v63  }
0x317: {  	s28 =	sor.u32 $0x1400, s23;
	s29 =	sadd.s32 $0x570, s12  }
0x318: {  	[hbm4b:s29+s2] =	stream.linear.scatter [tilespmem:s28], [sflag:$0x1], $0x80, $0x38;
	[tilespmem:$0x2200] =	vst v63  }
0x319: {  	s30 =	sor.u32 $0x1600, s23;
	s31 =	sadd.s32 $0x5F0, s12  }
0x31a: {  	[hbm4b:s31+s2] =	stream.linear.scatter [tilespmem:s30], [sflag:$0x1], $0x80, $0x38;
	[tilespmem:$0x2200] =	vst v63  }
0x31b: {  	s25 =	sor.u32 $0x1800, s23;
	s26 =	sadd.s32 $0x670, s12  }
0x31c: {  	[hbm4b:s26+s2] =	stream.linear.scatter [tilespmem:s25], [sflag:$0x1], $0x80, $0x38;
	[tilespmem:$0x2200] =	vst v63  }
0x31d: {  	s28 =	sor.u32 $0x1A00, s23;
	s29 =	sadd.s32 $0x6F0, s12  }
0x31e: {  	[hbm4b:s29+s2] =	stream.linear.scatter [tilespmem:s28], [sflag:$0x1], $0x80, $0x38;
	[tilespmem:$0x2200] =	vst v63  }
0x31f: {  	s30 =	sor.u32 $0x1C00, s23;
	s31 =	sadd.s32 $0x770, s12  }
0x320: {  	[hbm4b:s31+s2] =	stream.linear.scatter [tilespmem:s30], [sflag:$0x1], $0x80, $0x38;
	[tilespmem:$0x2200] =	vst v63  }
0x321: {  	s23 =	sor.u32 $0x1E00, s23;
	s25 =	sadd.s32 $0x7F0, s12  }
0x322: {  	[hbm4b:s25+s2] =	stream.linear.scatter [tilespmem:s23], [sflag:$0x1], $0x80, $0x38;
	[tilespmem:$0x2200] =	vst v63  }
0x323: {  	s26 =	sadd.s32 $0x800, s12  }
0x324: {  	[hbm4b:s26+s2] =	stream.linear.scatter [tilespmem:s22], [sflag:$0x1], $0x80, $0x38;
	[tilespmem:$0x2200] =	vst v63  }
0x325: {  	s28 =	sor.u32 $0x200, s22;
	s29 =	sadd.s32 $0x880, s12  }
0x326: {  	[hbm4b:s29+s2] =	stream.linear.scatter [tilespmem:s28], [sflag:$0x1], $0x80, $0x38;
	[tilespmem:$0x2200] =	vst v63  }
0x327: {  	s30 =	sor.u32 $0x400, s22;
	s31 =	sadd.s32 $0x900, s12  }
0x328: {  	[hbm4b:s31+s2] =	stream.linear.scatter [tilespmem:s30], [sflag:$0x1], $0x80, $0x38;
	[tilespmem:$0x2200] =	vst v63  }
0x329: {  	s25 =	sor.u32 $0x600, s22;
	s26 =	sadd.s32 $0x980, s12  }
0x32a: {  	[hbm4b:s26+s2] =	stream.linear.scatter [tilespmem:s25], [sflag:$0x1], $0x80, $0x38;
	[tilespmem:$0x2200] =	vst v63  }
0x32b: {  	s28 =	sor.u32 $0x800, s22;
	s29 =	sadd.s32 $0xA00, s12  }
0x32c: {  	[hbm4b:s29+s2] =	stream.linear.scatter [tilespmem:s28], [sflag:$0x1], $0x80, $0x38;
	[tilespmem:$0x2200] =	vst v63  }
0x32d: {  	s30 =	sor.u32 $0xA00, s22;
	s31 =	sadd.s32 $0xA80, s12  }
0x32e: {  	[hbm4b:s31+s2] =	stream.linear.scatter [tilespmem:s30], [sflag:$0x1], $0x80, $0x38;
	[tilespmem:$0x2200] =	vst v63  }
0x32f: {  	s25 =	sor.u32 $0xC00, s22;
	s26 =	sadd.s32 $0xB00, s12  }
0x330: {  	[hbm4b:s26+s2] =	stream.linear.scatter [tilespmem:s25], [sflag:$0x1], $0x80, $0x38;
	[tilespmem:$0x2200] =	vst v63  }
0x331: {  	s28 =	sor.u32 $0xE00, s22;
	s29 =	sadd.s32 $0xB80, s12  }
0x332: {  	[hbm4b:s29+s2] =	stream.linear.scatter [tilespmem:s28], [sflag:$0x1], $0x80, $0x38;
	[tilespmem:$0x2200] =	vst v63  }
0x333: {  	s30 =	sor.u32 $0x1000, s22;
	s31 =	sadd.s32 $0xC00, s12  }
0x334: {  	[hbm4b:s31+s2] =	stream.linear.scatter [tilespmem:s30], [sflag:$0x1], $0x80, $0x38;
	[tilespmem:$0x2200] =	vst v63  }
0x335: {  	s25 =	sor.u32 $0x1200, s22;
	s26 =	sadd.s32 $0xC80, s12  }
0x336: {  	[hbm4b:s26+s2] =	stream.linear.scatter [tilespmem:s25], [sflag:$0x1], $0x80, $0x38;
	[tilespmem:$0x2200] =	vst v63  }
0x337: {  	s28 =	sor.u32 $0x1400, s22;
	s29 =	sadd.s32 $0xD00, s12  }
0x338: {  	[hbm4b:s29+s2] =	stream.linear.scatter [tilespmem:s28], [sflag:$0x1], $0x80, $0x38;
	[tilespmem:$0x2200] =	vst v63  }
0x339: {  	s30 =	sor.u32 $0x1600, s22;
	s31 =	sadd.s32 $0xD80, s12  }
0x33a: {  	[hbm4b:s31+s2] =	stream.linear.scatter [tilespmem:s30], [sflag:$0x1], $0x80, $0x38;
	[tilespmem:$0x2200] =	vst v63  }
0x33b: {  	s24 =	sor.u32 $0x1800, s22;
	s25 =	sadd.s32 $0xE00, s12  }
0x33c: {  	[hbm4b:s25+s2] =	stream.linear.scatter [tilespmem:s24], [sflag:$0x1], $0x80, $0x38;
	[tilespmem:$0x2200] =	vst v63  }
0x33d: {  	s26 =	sor.u32 $0x1A00, s22;
	s28 =	sadd.s32 $0xE80, s12  }
0x33e: {  	[hbm4b:s28+s2] =	stream.linear.scatter [tilespmem:s26], [sflag:$0x1], $0x80, $0x38;
	[tilespmem:$0x2200] =	vst v63  }
0x33f: {  	s29 =	sor.u32 $0x1C00, s22;
	s30 =	sadd.s32 $0xF00, s12  }
0x340: {  	[hbm4b:s30+s2] =	stream.linear.scatter [tilespmem:s29], [sflag:$0x1], $0x80, $0x38;
	[tilespmem:$0x2200] =	vst v63  }
0x341: {  	s22 =	sor.u32 $0x1E00, s22;
	s31 =	sadd.s32 $0xF80, s12  }
0x342: {  	[hbm4b:s31+s2] =	stream.linear.scatter [tilespmem:s22], [sflag:$0x1], $0x80, $0x38;
	[tilespmem:$0x2200] =	vst v63  }
0x343: {  	s24 =	sadd.s32 $0x810, s12  }
0x344: {  	[hbm4b:s24+s2] =	stream.linear.scatter [tilespmem:s19], [sflag:$0x1], $0x80, $0x38;
	[tilespmem:$0x2200] =	vst v63  }
0x345: {  	s25 =	sor.u32 $0x200, s19;
	s26 =	sadd.s32 $0x890, s12  }
0x346: {  	[hbm4b:s26+s2] =	stream.linear.scatter [tilespmem:s25], [sflag:$0x1], $0x80, $0x38;
	[tilespmem:$0x2200] =	vst v63  }
0x347: {  	s28 =	sor.u32 $0x400, s19;
	s29 =	sadd.s32 $0x910, s12  }
0x348: {  	[hbm4b:s29+s2] =	stream.linear.scatter [tilespmem:s28], [sflag:$0x1], $0x80, $0x38;
	[tilespmem:$0x2200] =	vst v63  }
0x349: {  	s30 =	sor.u32 $0x600, s19;
	s31 =	sadd.s32 $0x990, s12  }
0x34a: {  	[hbm4b:s31+s2] =	stream.linear.scatter [tilespmem:s30], [sflag:$0x1], $0x80, $0x38;
	[tilespmem:$0x2200] =	vst v63  }
0x34b: {  	s23 =	sor.u32 $0x800, s19;
	s24 =	sadd.s32 $0xA10, s12  }
0x34c: {  	[hbm4b:s24+s2] =	stream.linear.scatter [tilespmem:s23], [sflag:$0x1], $0x80, $0x38;
	[tilespmem:$0x2200] =	vst v63  }
0x34d: {  	s25 =	sor.u32 $0xA00, s19;
	s26 =	sadd.s32 $0xA90, s12  }
0x34e: {  	[hbm4b:s26+s2] =	stream.linear.scatter [tilespmem:s25], [sflag:$0x1], $0x80, $0x38;
	[tilespmem:$0x2200] =	vst v63  }
0x34f: {  	s28 =	sor.u32 $0xC00, s19;
	s29 =	sadd.s32 $0xB10, s12  }
0x350: {  	[hbm4b:s29+s2] =	stream.linear.scatter [tilespmem:s28], [sflag:$0x1], $0x80, $0x38;
	[tilespmem:$0x2200] =	vst v63  }
0x351: {  	s30 =	sor.u32 $0xE00, s19;
	s31 =	sadd.s32 $0xB90, s12  }
0x352: {  	[hbm4b:s31+s2] =	stream.linear.scatter [tilespmem:s30], [sflag:$0x1], $0x80, $0x38;
	[tilespmem:$0x2200] =	vst v63  }
0x353: {  	s23 =	sor.u32 $0x1000, s19;
	s24 =	sadd.s32 $0xC10, s12  }
0x354: {  	[hbm4b:s24+s2] =	stream.linear.scatter [tilespmem:s23], [sflag:$0x1], $0x80, $0x38;
	[tilespmem:$0x2200] =	vst v63  }
0x355: {  	s25 =	sor.u32 $0x1200, s19;
	s26 =	sadd.s32 $0xC90, s12  }
0x356: {  	[hbm4b:s26+s2] =	stream.linear.scatter [tilespmem:s25], [sflag:$0x1], $0x80, $0x38;
	[tilespmem:$0x2200] =	vst v63  }
0x357: {  	s28 =	sor.u32 $0x1400, s19;
	s29 =	sadd.s32 $0xD10, s12  }
0x358: {  	[hbm4b:s29+s2] =	stream.linear.scatter [tilespmem:s28], [sflag:$0x1], $0x80, $0x38;
	[tilespmem:$0x2200] =	vst v63  }
0x359: {  	s30 =	sor.u32 $0x1600, s19;
	s31 =	sadd.s32 $0xD90, s12  }
0x35a: {  	[hbm4b:s31+s2] =	stream.linear.scatter [tilespmem:s30], [sflag:$0x1], $0x80, $0x38;
	[tilespmem:$0x2200] =	vst v63  }
0x35b: {  	s24 =	sor.u32 $0x1800, s19;
	s25 =	sadd.s32 $0xE10, s12  }
0x35c: {  	[hbm4b:s25+s2] =	stream.linear.scatter [tilespmem:s24], [sflag:$0x1], $0x80, $0x38;
	[tilespmem:$0x2200] =	vst v63  }
0x35d: {  	s26 =	sor.u32 $0x1A00, s19;
	s28 =	sadd.s32 $0xE90, s12  }
0x35e: {  	[hbm4b:s28+s2] =	stream.linear.scatter [tilespmem:s26], [sflag:$0x1], $0x80, $0x38;
	[tilespmem:$0x2200] =	vst v63  }
0x35f: {  	s29 =	sor.u32 $0x1C00, s19;
	s30 =	sadd.s32 $0xF10, s12  }
0x360: {  	[hbm4b:s30+s2] =	stream.linear.scatter [tilespmem:s29], [sflag:$0x1], $0x80, $0x38;
	[tilespmem:$0x2200] =	vst v63  }
0x361: {  	s19 =	sor.u32 $0x1E00, s19;
	s31 =	sadd.s32 $0xF90, s12  }
0x362: {  	[hbm4b:s31+s2] =	stream.linear.scatter [tilespmem:s19], [sflag:$0x1], $0x80, $0x38;
	[tilespmem:$0x2200] =	vst v63  }
0x363: {  	s22 =	sadd.s32 $0x820, s12;
	s19 =	sor.u32 s21, s20  }
0x364: {  	[hbm4b:s22+s2] =	stream.linear.scatter [tilespmem:s19], [sflag:$0x1], $0x80, $0x38;
	[tilespmem:$0x2200] =	vst v63  }
0x365: {  	s24 =	sadd.s32 $0x8A0, s12;
	s23 =	sor.u32 $0x200, s19  }
0x366: {  	[hbm4b:s24+s2] =	stream.linear.scatter [tilespmem:s23], [sflag:$0x1], $0x80, $0x38;
	[tilespmem:$0x2200] =	vst v63  }
0x367: {  	s26 =	sadd.s32 $0x920, s12;
	s25 =	sor.u32 $0x400, s19  }
0x368: {  	[hbm4b:s26+s2] =	stream.linear.scatter [tilespmem:s25], [sflag:$0x1], $0x80, $0x38;
	[tilespmem:$0x2200] =	vst v63  }
0x369: {  	s29 =	sadd.s32 $0x9A0, s12;
	s28 =	sor.u32 $0x600, s19  }
0x36a: {  	[hbm4b:s29+s2] =	stream.linear.scatter [tilespmem:s28], [sflag:$0x1], $0x80, $0x38;
	[tilespmem:$0x2200] =	vst v63  }
0x36b: {  	s31 =	sadd.s32 $0xA20, s12;
	s30 =	sor.u32 $0x800, s19  }
0x36c: {  	[hbm4b:s31+s2] =	stream.linear.scatter [tilespmem:s30], [sflag:$0x1], $0x80, $0x38;
	[tilespmem:$0x2200] =	vst v63  }
0x36d: {  	s21 =	sor.u32 $0xA00, s19;
	s22 =	sadd.s32 $0xAA0, s12  }
0x36e: {  	[hbm4b:s22+s2] =	stream.linear.scatter [tilespmem:s21], [sflag:$0x1], $0x80, $0x38;
	[tilespmem:$0x2200] =	vst v63  }
0x36f: {  	s23 =	sor.u32 $0xC00, s19;
	s24 =	sadd.s32 $0xB20, s12  }
0x370: {  	[hbm4b:s24+s2] =	stream.linear.scatter [tilespmem:s23], [sflag:$0x1], $0x80, $0x38;
	[tilespmem:$0x2200] =	vst v63  }
0x371: {  	s25 =	sor.u32 $0xE00, s19;
	s26 =	sadd.s32 $0xBA0, s12  }
0x372: {  	[hbm4b:s26+s2] =	stream.linear.scatter [tilespmem:s25], [sflag:$0x1], $0x80, $0x38;
	[tilespmem:$0x2200] =	vst v63  }
0x373: {  	s28 =	sor.u32 $0x1000, s19;
	s29 =	sadd.s32 $0xC20, s12  }
0x374: {  	[hbm4b:s29+s2] =	stream.linear.scatter [tilespmem:s28], [sflag:$0x1], $0x80, $0x38;
	[tilespmem:$0x2200] =	vst v63  }
0x375: {  	s30 =	sor.u32 $0x1200, s19;
	s31 =	sadd.s32 $0xCA0, s12  }
0x376: {  	[hbm4b:s31+s2] =	stream.linear.scatter [tilespmem:s30], [sflag:$0x1], $0x80, $0x38;
	[tilespmem:$0x2200] =	vst v63  }
0x377: {  	s21 =	sor.u32 $0x1400, s19;
	s22 =	sadd.s32 $0xD20, s12  }
0x378: {  	[hbm4b:s22+s2] =	stream.linear.scatter [tilespmem:s21], [sflag:$0x1], $0x80, $0x38;
	[tilespmem:$0x2200] =	vst v63  }
0x379: {  	s23 =	sor.u32 $0x1600, s19;
	s24 =	sadd.s32 $0xDA0, s12  }
0x37a: {  	[hbm4b:s24+s2] =	stream.linear.scatter [tilespmem:s23], [sflag:$0x1], $0x80, $0x38;
	[tilespmem:$0x2200] =	vst v63  }
0x37b: {  	s25 =	sor.u32 $0x1800, s19;
	s26 =	sadd.s32 $0xE20, s12  }
0x37c: {  	[hbm4b:s26+s2] =	stream.linear.scatter [tilespmem:s25], [sflag:$0x1], $0x80, $0x38;
	[tilespmem:$0x2200] =	vst v63  }
0x37d: {  	s28 =	sor.u32 $0x1A00, s19;
	s29 =	sadd.s32 $0xEA0, s12  }
0x37e: {  	[hbm4b:s29+s2] =	stream.linear.scatter [tilespmem:s28], [sflag:$0x1], $0x80, $0x38;
	[tilespmem:$0x2200] =	vst v63  }
0x37f: {  	s30 =	sor.u32 $0x1C00, s19;
	s31 =	sadd.s32 $0xF20, s12  }
0x380: {  	[hbm4b:s31+s2] =	stream.linear.scatter [tilespmem:s30], [sflag:$0x1], $0x80, $0x38;
	[tilespmem:$0x2200] =	vst v63  }
0x381: {  	s19 =	sor.u32 $0x1E00, s19;
	s21 =	sadd.s32 $0xFA0, s12  }
0x382: {  	[hbm4b:s21+s2] =	stream.linear.scatter [tilespmem:s19], [sflag:$0x1], $0x80, $0x38;
	[tilespmem:$0x2200] =	vst v63  }
0x383: {  	s22 =	sadd.s32 $0x830, s12  }
0x384: {  	[hbm4b:s22+s2] =	stream.linear.scatter [tilespmem:s18], [sflag:$0x1], $0x80, $0x38;
	[tilespmem:$0x2200] =	vst v63  }
0x385: {  	s23 =	sor.u32 $0x200, s18;
	s24 =	sadd.s32 $0x8B0, s12  }
0x386: {  	[hbm4b:s24+s2] =	stream.linear.scatter [tilespmem:s23], [sflag:$0x1], $0x80, $0x38;
	[tilespmem:$0x2200] =	vst v63  }
0x387: {  	s25 =	sor.u32 $0x400, s18;
	s26 =	sadd.s32 $0x930, s12  }
0x388: {  	[hbm4b:s26+s2] =	stream.linear.scatter [tilespmem:s25], [sflag:$0x1], $0x80, $0x38;
	[tilespmem:$0x2200] =	vst v63  }
0x389: {  	s28 =	sor.u32 $0x600, s18;
	s29 =	sadd.s32 $0x9B0, s12  }
0x38a: {  	[hbm4b:s29+s2] =	stream.linear.scatter [tilespmem:s28], [sflag:$0x1], $0x80, $0x38;
	[tilespmem:$0x2200] =	vst v63  }
0x38b: {  	s30 =	sor.u32 $0x800, s18;
	s31 =	sadd.s32 $0xA30, s12  }
0x38c: {  	[hbm4b:s31+s2] =	stream.linear.scatter [tilespmem:s30], [sflag:$0x1], $0x80, $0x38;
	[tilespmem:$0x2200] =	vst v63  }
0x38d: {  	s21 =	sor.u32 $0xA00, s18;
	s22 =	sadd.s32 $0xAB0, s12  }
0x38e: {  	[hbm4b:s22+s2] =	stream.linear.scatter [tilespmem:s21], [sflag:$0x1], $0x80, $0x38;
	[tilespmem:$0x2200] =	vst v63  }
0x38f: {  	s23 =	sor.u32 $0xC00, s18;
	s24 =	sadd.s32 $0xB30, s12  }
0x390: {  	[hbm4b:s24+s2] =	stream.linear.scatter [tilespmem:s23], [sflag:$0x1], $0x80, $0x38;
	[tilespmem:$0x2200] =	vst v63  }
0x391: {  	s25 =	sor.u32 $0xE00, s18;
	s26 =	sadd.s32 $0xBB0, s12  }
0x392: {  	[hbm4b:s26+s2] =	stream.linear.scatter [tilespmem:s25], [sflag:$0x1], $0x80, $0x38;
	[tilespmem:$0x2200] =	vst v63  }
0x393: {  	s28 =	sor.u32 $0x1000, s18;
	s29 =	sadd.s32 $0xC30, s12  }
0x394: {  	[hbm4b:s29+s2] =	stream.linear.scatter [tilespmem:s28], [sflag:$0x1], $0x80, $0x38;
	[tilespmem:$0x2200] =	vst v63  }
0x395: {  	s30 =	sor.u32 $0x1200, s18;
	s31 =	sadd.s32 $0xCB0, s12  }
0x396: {  	[hbm4b:s31+s2] =	stream.linear.scatter [tilespmem:s30], [sflag:$0x1], $0x80, $0x38;
	[tilespmem:$0x2200] =	vst v63  }
0x397: {  	s21 =	sor.u32 $0x1400, s18;
	s22 =	sadd.s32 $0xD30, s12  }
0x398: {  	[hbm4b:s22+s2] =	stream.linear.scatter [tilespmem:s21], [sflag:$0x1], $0x80, $0x38;
	[tilespmem:$0x2200] =	vst v63  }
0x399: {  	s23 =	sor.u32 $0x1600, s18;
	s24 =	sadd.s32 $0xDB0, s12  }
0x39a: {  	[hbm4b:s24+s2] =	stream.linear.scatter [tilespmem:s23], [sflag:$0x1], $0x80, $0x38;
	[tilespmem:$0x2200] =	vst v63  }
0x39b: {  	s25 =	sor.u32 $0x1800, s18;
	s26 =	sadd.s32 $0xE30, s12  }
0x39c: {  	[hbm4b:s26+s2] =	stream.linear.scatter [tilespmem:s25], [sflag:$0x1], $0x80, $0x38;
	[tilespmem:$0x2200] =	vst v63  }
0x39d: {  	s28 =	sor.u32 $0x1A00, s18;
	s29 =	sadd.s32 $0xEB0, s12  }
0x39e: {  	[hbm4b:s29+s2] =	stream.linear.scatter [tilespmem:s28], [sflag:$0x1], $0x80, $0x38;
	[tilespmem:$0x2200] =	vst v63  }
0x39f: {  	s30 =	sor.u32 $0x1C00, s18;
	s31 =	sadd.s32 $0xF30, s12  }
0x3a0: {  	[hbm4b:s31+s2] =	stream.linear.scatter [tilespmem:s30], [sflag:$0x1], $0x80, $0x38;
	[tilespmem:$0x2200] =	vst v63  }
0x3a1: {  	s18 =	sor.u32 $0x1E00, s18;
	s21 =	sadd.s32 $0xFB0, s12  }
0x3a2: {  	[hbm4b:s21+s2] =	stream.linear.scatter [tilespmem:s18], [sflag:$0x1], $0x80, $0x38;
	[tilespmem:$0x2200] =	vst v63  }
0x3a3: {  	s22 =	sadd.s32 $0x840, s12  }
0x3a4: {  	[hbm4b:s22+s2] =	stream.linear.scatter [tilespmem:s15], [sflag:$0x1], $0x80, $0x38;
	[tilespmem:$0x2200] =	vst v63  }
0x3a5: {  	s23 =	sor.u32 $0x200, s15;
	s24 =	sadd.s32 $0x8C0, s12  }
0x3a6: {  	[hbm4b:s24+s2] =	stream.linear.scatter [tilespmem:s23], [sflag:$0x1], $0x80, $0x38;
	[tilespmem:$0x2200] =	vst v63  }
0x3a7: {  	s25 =	sor.u32 $0x400, s15;
	s26 =	sadd.s32 $0x940, s12  }
0x3a8: {  	[hbm4b:s26+s2] =	stream.linear.scatter [tilespmem:s25], [sflag:$0x1], $0x80, $0x38;
	[tilespmem:$0x2200] =	vst v63  }
0x3a9: {  	s28 =	sor.u32 $0x600, s15;
	s29 =	sadd.s32 $0x9C0, s12  }
0x3aa: {  	[hbm4b:s29+s2] =	stream.linear.scatter [tilespmem:s28], [sflag:$0x1], $0x80, $0x38;
	[tilespmem:$0x2200] =	vst v63  }
0x3ab: {  	s30 =	sor.u32 $0x800, s15;
	s31 =	sadd.s32 $0xA40, s12  }
0x3ac: {  	[hbm4b:s31+s2] =	stream.linear.scatter [tilespmem:s30], [sflag:$0x1], $0x80, $0x38;
	[tilespmem:$0x2200] =	vst v63  }
0x3ad: {  	s20 =	sadd.s32 $0xAC0, s12;
	s19 =	sor.u32 $0xA00, s15  }
0x3ae: {  	[hbm4b:s20+s2] =	stream.linear.scatter [tilespmem:s19], [sflag:$0x1], $0x80, $0x38;
	[tilespmem:$0x2200] =	vst v63  }
0x3af: {  	s21 =	sor.u32 $0xC00, s15;
	s22 =	sadd.s32 $0xB40, s12  }
0x3b0: {  	[hbm4b:s22+s2] =	stream.linear.scatter [tilespmem:s21], [sflag:$0x1], $0x80, $0x38;
	[tilespmem:$0x2200] =	vst v63  }
0x3b1: {  	s23 =	sor.u32 $0xE00, s15;
	s24 =	sadd.s32 $0xBC0, s12  }
0x3b2: {  	[hbm4b:s24+s2] =	stream.linear.scatter [tilespmem:s23], [sflag:$0x1], $0x80, $0x38;
	[tilespmem:$0x2200] =	vst v63  }
0x3b3: {  	s25 =	sor.u32 $0x1000, s15;
	s26 =	sadd.s32 $0xC40, s12  }
0x3b4: {  	[hbm4b:s26+s2] =	stream.linear.scatter [tilespmem:s25], [sflag:$0x1], $0x80, $0x38;
	[tilespmem:$0x2200] =	vst v63  }
0x3b5: {  	s28 =	sor.u32 $0x1200, s15;
	s29 =	sadd.s32 $0xCC0, s12  }
0x3b6: {  	[hbm4b:s29+s2] =	stream.linear.scatter [tilespmem:s28], [sflag:$0x1], $0x80, $0x38;
	[tilespmem:$0x2200] =	vst v63  }
0x3b7: {  	s30 =	sor.u32 $0x1400, s15;
	s31 =	sadd.s32 $0xD40, s12  }
0x3b8: {  	[hbm4b:s31+s2] =	stream.linear.scatter [tilespmem:s30], [sflag:$0x1], $0x80, $0x38;
	[tilespmem:$0x2200] =	vst v63  }
0x3b9: {  	s19 =	sor.u32 $0x1600, s15;
	s20 =	sadd.s32 $0xDC0, s12  }
0x3ba: {  	[hbm4b:s20+s2] =	stream.linear.scatter [tilespmem:s19], [sflag:$0x1], $0x80, $0x38;
	[tilespmem:$0x2200] =	vst v63  }
0x3bb: {  	s21 =	sor.u32 $0x1800, s15;
	s22 =	sadd.s32 $0xE40, s12  }
0x3bc: {  	[hbm4b:s22+s2] =	stream.linear.scatter [tilespmem:s21], [sflag:$0x1], $0x80, $0x38;
	[tilespmem:$0x2200] =	vst v63  }
0x3bd: {  	s23 =	sor.u32 $0x1A00, s15;
	s24 =	sadd.s32 $0xEC0, s12  }
0x3be: {  	[hbm4b:s24+s2] =	stream.linear.scatter [tilespmem:s23], [sflag:$0x1], $0x80, $0x38;
	[tilespmem:$0x2200] =	vst v63  }
0x3bf: {  	s25 =	sor.u32 $0x1C00, s15;
	s26 =	sadd.s32 $0xF40, s12  }
0x3c0: {  	[hbm4b:s26+s2] =	stream.linear.scatter [tilespmem:s25], [sflag:$0x1], $0x80, $0x38;
	[tilespmem:$0x2200] =	vst v63  }
0x3c1: {  	s15 =	sor.u32 $0x1E00, s15;
	s28 =	sadd.s32 $0xFC0, s12  }
0x3c2: {  	[hbm4b:s28+s2] =	stream.linear.scatter [tilespmem:s15], [sflag:$0x1], $0x80, $0x38;
	[tilespmem:$0x2200] =	vst v63  }
0x3c3: {  	s29 =	sadd.s32 $0x850, s12;
	s15 =	sor.u32 s17, s16  }
0x3c4: {  	[hbm4b:s29+s2] =	stream.linear.scatter [tilespmem:s15], [sflag:$0x1], $0x80, $0x38;
	[tilespmem:$0x2200] =	vst v63  }
0x3c5: {  	s31 =	sadd.s32 $0x8D0, s12;
	s30 =	sor.u32 $0x200, s15  }
0x3c6: {  	[hbm4b:s31+s2] =	stream.linear.scatter [tilespmem:s30], [sflag:$0x1], $0x80, $0x38;
	[tilespmem:$0x2200] =	vst v63  }
0x3c7: {  	s18 =	sadd.s32 $0x950, s12;
	s17 =	sor.u32 $0x400, s15  }
0x3c8: {  	[hbm4b:s18+s2] =	stream.linear.scatter [tilespmem:s17], [sflag:$0x1], $0x80, $0x38;
	[tilespmem:$0x2200] =	vst v63  }
0x3c9: {  	s20 =	sadd.s32 $0x9D0, s12;
	s19 =	sor.u32 $0x600, s15  }
0x3ca: {  	[hbm4b:s20+s2] =	stream.linear.scatter [tilespmem:s19], [sflag:$0x1], $0x80, $0x38;
	[tilespmem:$0x2200] =	vst v63  }
0x3cb: {  	s22 =	sadd.s32 $0xA50, s12;
	s21 =	sor.u32 $0x800, s15  }
0x3cc: {  	[hbm4b:s22+s2] =	stream.linear.scatter [tilespmem:s21], [sflag:$0x1], $0x80, $0x38;
	[tilespmem:$0x2200] =	vst v63  }
0x3cd: {  	s24 =	sadd.s32 $0xAD0, s12;
	s23 =	sor.u32 $0xA00, s15  }
0x3ce: {  	[hbm4b:s24+s2] =	stream.linear.scatter [tilespmem:s23], [sflag:$0x1], $0x80, $0x38;
	[tilespmem:$0x2200] =	vst v63  }
0x3cf: {  	s26 =	sadd.s32 $0xB50, s12;
	s25 =	sor.u32 $0xC00, s15  }
0x3d0: {  	[hbm4b:s26+s2] =	stream.linear.scatter [tilespmem:s25], [sflag:$0x1], $0x80, $0x38;
	[tilespmem:$0x2200] =	vst v63  }
0x3d1: {  	s28 =	sor.u32 $0xE00, s15;
	s29 =	sadd.s32 $0xBD0, s12  }
0x3d2: {  	[hbm4b:s29+s2] =	stream.linear.scatter [tilespmem:s28], [sflag:$0x1], $0x80, $0x38;
	[tilespmem:$0x2200] =	vst v63  }
0x3d3: {  	s30 =	sor.u32 $0x1000, s15;
	s31 =	sadd.s32 $0xC50, s12  }
0x3d4: {  	[hbm4b:s31+s2] =	stream.linear.scatter [tilespmem:s30], [sflag:$0x1], $0x80, $0x38;
	[tilespmem:$0x2200] =	vst v63  }
0x3d5: {  	s18 =	sor.u32 $0x1200, s15;
	s19 =	sadd.s32 $0xCD0, s12  }
0x3d6: {  	[hbm4b:s19+s2] =	stream.linear.scatter [tilespmem:s18], [sflag:$0x1], $0x80, $0x38;
	[tilespmem:$0x2200] =	vst v63  }
0x3d7: {  	s20 =	sor.u32 $0x1400, s15;
	s21 =	sadd.s32 $0xD50, s12  }
0x3d8: {  	[hbm4b:s21+s2] =	stream.linear.scatter [tilespmem:s20], [sflag:$0x1], $0x80, $0x38;
	[tilespmem:$0x2200] =	vst v63  }
0x3d9: {  	s22 =	sor.u32 $0x1600, s15;
	s23 =	sadd.s32 $0xDD0, s12  }
0x3da: {  	[hbm4b:s23+s2] =	stream.linear.scatter [tilespmem:s22], [sflag:$0x1], $0x80, $0x38;
	[tilespmem:$0x2200] =	vst v63  }
0x3db: {  	s24 =	sor.u32 $0x1800, s15;
	s25 =	sadd.s32 $0xE50, s12  }
0x3dc: {  	[hbm4b:s25+s2] =	stream.linear.scatter [tilespmem:s24], [sflag:$0x1], $0x80, $0x38;
	[tilespmem:$0x2200] =	vst v63  }
0x3dd: {  	s26 =	sor.u32 $0x1A00, s15;
	s28 =	sadd.s32 $0xED0, s12  }
0x3de: {  	[hbm4b:s28+s2] =	stream.linear.scatter [tilespmem:s26], [sflag:$0x1], $0x80, $0x38;
	[tilespmem:$0x2200] =	vst v63  }
0x3df: {  	s29 =	sor.u32 $0x1C00, s15;
	s30 =	sadd.s32 $0xF50, s12  }
0x3e0: {  	[hbm4b:s30+s2] =	stream.linear.scatter [tilespmem:s29], [sflag:$0x1], $0x80, $0x38;
	[tilespmem:$0x2200] =	vst v63  }
0x3e1: {  	s15 =	sor.u32 $0x1E00, s15;
	s31 =	sadd.s32 $0xFD0, s12  }
0x3e2: {  	[hbm4b:s31+s2] =	stream.linear.scatter [tilespmem:s15], [sflag:$0x1], $0x80, $0x38;
	[tilespmem:$0x2200] =	vst v63  }
0x3e3: {  	s16 =	sadd.s32 $0x860, s12  }
0x3e4: {  	[hbm4b:s16+s2] =	stream.linear.scatter [tilespmem:s14], [sflag:$0x1], $0x80, $0x38;
	[tilespmem:$0x2200] =	vst v63  }
0x3e5: {  	s17 =	sor.u32 $0x200, s14;
	s18 =	sadd.s32 $0x8E0, s12  }
0x3e6: {  	[hbm4b:s18+s2] =	stream.linear.scatter [tilespmem:s17], [sflag:$0x1], $0x80, $0x38;
	[tilespmem:$0x2200] =	vst v63  }
0x3e7: {  	s19 =	sor.u32 $0x400, s14;
	s20 =	sadd.s32 $0x960, s12  }
0x3e8: {  	[hbm4b:s20+s2] =	stream.linear.scatter [tilespmem:s19], [sflag:$0x1], $0x80, $0x38;
	[tilespmem:$0x2200] =	vst v63  }
0x3e9: {  	s21 =	sor.u32 $0x600, s14;
	s22 =	sadd.s32 $0x9E0, s12  }
0x3ea: {  	[hbm4b:s22+s2] =	stream.linear.scatter [tilespmem:s21], [sflag:$0x1], $0x80, $0x38;
	[tilespmem:$0x2200] =	vst v63  }
0x3eb: {  	s23 =	sor.u32 $0x800, s14;
	s24 =	sadd.s32 $0xA60, s12  }
0x3ec: {  	[hbm4b:s24+s2] =	stream.linear.scatter [tilespmem:s23], [sflag:$0x1], $0x80, $0x38;
	[tilespmem:$0x2200] =	vst v63  }
0x3ed: {  	s25 =	sor.u32 $0xA00, s14;
	s26 =	sadd.s32 $0xAE0, s12  }
0x3ee: {  	[hbm4b:s26+s2] =	stream.linear.scatter [tilespmem:s25], [sflag:$0x1], $0x80, $0x38;
	[tilespmem:$0x2200] =	vst v63  }
0x3ef: {  	s28 =	sor.u32 $0xC00, s14;
	s29 =	sadd.s32 $0xB60, s12  }
0x3f0: {  	[hbm4b:s29+s2] =	stream.linear.scatter [tilespmem:s28], [sflag:$0x1], $0x80, $0x38;
	[tilespmem:$0x2200] =	vst v63  }
0x3f1: {  	s30 =	sor.u32 $0xE00, s14;
	s31 =	sadd.s32 $0xBE0, s12  }
0x3f2: {  	[hbm4b:s31+s2] =	stream.linear.scatter [tilespmem:s30], [sflag:$0x1], $0x80, $0x38;
	[tilespmem:$0x2200] =	vst v63  }
0x3f3: {  	s17 =	sor.u32 $0x1000, s14;
	s18 =	sadd.s32 $0xC60, s12  }
0x3f4: {  	[hbm4b:s18+s2] =	stream.linear.scatter [tilespmem:s17], [sflag:$0x1], $0x80, $0x38;
	[tilespmem:$0x2200] =	vst v63  }
0x3f5: {  	s19 =	sor.u32 $0x1200, s14;
	s20 =	sadd.s32 $0xCE0, s12  }
0x3f6: {  	[hbm4b:s20+s2] =	stream.linear.scatter [tilespmem:s19], [sflag:$0x1], $0x80, $0x38;
	[tilespmem:$0x2200] =	vst v63  }
0x3f7: {  	s21 =	sor.u32 $0x1400, s14;
	s22 =	sadd.s32 $0xD60, s12  }
0x3f8: {  	[hbm4b:s22+s2] =	stream.linear.scatter [tilespmem:s21], [sflag:$0x1], $0x80, $0x38;
	[tilespmem:$0x2200] =	vst v63  }
0x3f9: {  	s23 =	sor.u32 $0x1600, s14;
	s24 =	sadd.s32 $0xDE0, s12  }
0x3fa: {  	[hbm4b:s24+s2] =	stream.linear.scatter [tilespmem:s23], [sflag:$0x1], $0x80, $0x38;
	[tilespmem:$0x2200] =	vst v63  }
0x3fb: {  	s25 =	sor.u32 $0x1800, s14;
	s26 =	sadd.s32 $0xE60, s12  }
0x3fc: {  	[hbm4b:s26+s2] =	stream.linear.scatter [tilespmem:s25], [sflag:$0x1], $0x80, $0x38;
	[tilespmem:$0x2200] =	vst v63  }
0x3fd: {  	s28 =	sor.u32 $0x1A00, s14;
	s29 =	sadd.s32 $0xEE0, s12  }
0x3fe: {  	[hbm4b:s29+s2] =	stream.linear.scatter [tilespmem:s28], [sflag:$0x1], $0x80, $0x38;
	[tilespmem:$0x2200] =	vst v63  }
0x3ff: {  	s30 =	sor.u32 $0x1C00, s14;
	s31 =	sadd.s32 $0xF60, s12  }
0x400: {  	[hbm4b:s31+s2] =	stream.linear.scatter [tilespmem:s30], [sflag:$0x1], $0x80, $0x38;
	[tilespmem:$0x2200] =	vst v63  }
0x401: {  	s14 =	sor.u32 $0x1E00, s14;
	s17 =	sadd.s32 $0xFE0, s12  }
0x402: {  	[hbm4b:s17+s2] =	stream.linear.scatter [tilespmem:s14], [sflag:$0x1], $0x80, $0x38;
	[tilespmem:$0x2200] =	vst v63  }
0x403: {  	s18 =	sadd.s32 $0x870, s12  }
0x404: {  	[hbm4b:s18+s2] =	stream.linear.scatter [tilespmem:s13], [sflag:$0x1], $0x80, $0x38;
	[tilespmem:$0x2200] =	vst v63  }
0x405: {  	s19 =	sor.u32 $0x200, s13;
	s20 =	sadd.s32 $0x8F0, s12  }
0x406: {  	[hbm4b:s20+s2] =	stream.linear.scatter [tilespmem:s19], [sflag:$0x1], $0x80, $0x38;
	[tilespmem:$0x2200] =	vst v63  }
0x407: {  	s21 =	sor.u32 $0x400, s13;
	s22 =	sadd.s32 $0x970, s12  }
0x408: {  	[hbm4b:s22+s2] =	stream.linear.scatter [tilespmem:s21], [sflag:$0x1], $0x80, $0x38;
	[tilespmem:$0x2200] =	vst v63  }
0x409: {  	s23 =	sor.u32 $0x600, s13;
	s24 =	sadd.s32 $0x9F0, s12  }
0x40a: {  	[hbm4b:s24+s2] =	stream.linear.scatter [tilespmem:s23], [sflag:$0x1], $0x80, $0x38;
	[tilespmem:$0x2200] =	vst v63  }
0x40b: {  	s25 =	sor.u32 $0x800, s13;
	s26 =	sadd.s32 $0xA70, s12  }
0x40c: {  	[hbm4b:s26+s2] =	stream.linear.scatter [tilespmem:s25], [sflag:$0x1], $0x80, $0x38;
	[tilespmem:$0x2200] =	vst v63  }
0x40d: {  	s28 =	sor.u32 $0xA00, s13;
	s29 =	sadd.s32 $0xAF0, s12  }
0x40e: {  	[hbm4b:s29+s2] =	stream.linear.scatter [tilespmem:s28], [sflag:$0x1], $0x80, $0x38;
	[tilespmem:$0x2200] =	vst v63  }
0x40f: {  	s30 =	sor.u32 $0xC00, s13;
	s31 =	sadd.s32 $0xB70, s12  }
0x410: {  	[hbm4b:s31+s2] =	stream.linear.scatter [tilespmem:s30], [sflag:$0x1], $0x80, $0x38;
	[tilespmem:$0x2200] =	vst v63  }
0x411: {  	s15 =	sor.u32 $0xE00, s13;
	s16 =	sadd.s32 $0xBF0, s12  }
0x412: {  	[hbm4b:s16+s2] =	stream.linear.scatter [tilespmem:s15], [sflag:$0x1], $0x80, $0x38;
	[tilespmem:$0x2200] =	vst v63  }
0x413: {  	s17 =	sor.u32 $0x1000, s13;
	s18 =	sadd.s32 $0xC70, s12  }
0x414: {  	[hbm4b:s18+s2] =	stream.linear.scatter [tilespmem:s17], [sflag:$0x1], $0x80, $0x38;
	[tilespmem:$0x2200] =	vst v63  }
0x415: {  	s19 =	sor.u32 $0x1200, s13;
	s20 =	sadd.s32 $0xCF0, s12  }
0x416: {  	[hbm4b:s20+s2] =	stream.linear.scatter [tilespmem:s19], [sflag:$0x1], $0x80, $0x38;
	[tilespmem:$0x2200] =	vst v63  }
0x417: {  	s21 =	sor.u32 $0x1400, s13;
	s22 =	sadd.s32 $0xD70, s12  }
0x418: {  	[hbm4b:s22+s2] =	stream.linear.scatter [tilespmem:s21], [sflag:$0x1], $0x80, $0x38;
	[tilespmem:$0x2200] =	vst v63  }
0x419: {  	s23 =	sor.u32 $0x1600, s13;
	s24 =	sadd.s32 $0xDF0, s12  }
0x41a: {  	[hbm4b:s24+s2] =	stream.linear.scatter [tilespmem:s23], [sflag:$0x1], $0x80, $0x38;
	[tilespmem:$0x2200] =	vst v63  }
0x41b: {  	s25 =	sor.u32 $0x1800, s13;
	s26 =	sadd.s32 $0xE70, s12  }
0x41c: {  	[hbm4b:s26+s2] =	stream.linear.scatter [tilespmem:s25], [sflag:$0x1], $0x80, $0x38;
	[tilespmem:$0x2200] =	vst v63  }
0x41d: {  	s10 =	sadd.s32 $0x1000, s10;
	s28 =	sor.u32 $0x1A00, s13;
	s29 =	sadd.s32 $0xEF0, s12  }
0x41e: {  	[hbm4b:s29+s2] =	stream.linear.scatter [tilespmem:s28], [sflag:$0x1], $0x80, $0x38;
	[tilespmem:$0x2200] =	vst v63  }
0x41f: {  	p0 =	sne.s32 s10, $0x20000;
	s30 =	sor.u32 $0x1C00, s13;
	s31 =	sadd.s32 $0xF70, s12  }
0x420: {  	[hbm4b:s31+s2] =	stream.linear.scatter [tilespmem:s30], [sflag:$0x1], $0x80, $0x38;
	[tilespmem:$0x2200] =	vst v63  }
.Ltmp0:
0x421: {  	_ = 	snop;
	(pc) =	sbr.rel @p0 .LBB2_2-.Ltmp0, $4  }
0x422: {  	p1 =	seq.s32 s11, $0x0;
	s13 =	sor.u32 $0x1E00, s13;
	s12 =	sadd.s32 $0xFF0, s12  }
0x423: {  	[hbm4b:s12+s2] =	stream.linear.scatter [tilespmem:s13], [sflag:$0x1], $0x80, $0x38;
	[tilespmem:$0x2200] =	vst v63  }
0x424: {  	s12 =	simm.s32 @!p1 $0x1  }
0x425: {  	_ =	swait.ge @!p1 [sflag:s12], $0x8000  }
0x426: {  	s8 =	sadd.s32 $0x1, s8  }
0x427: {  	p0 =	sne.s32 s8, s5  }
.Ltmp1:
0x428: {  	[sflag:s12] =	ssyncset.done @!p1 $0x0;
	(pc) =	sbr.rel @p0 .LBB2_1-.Ltmp1, $4  }
0x429: {  	[sflag:s12] =	ssyncadd.s32 @!p1 $0xFFFF8000  }
0x42a: {  	_ =	swait.ge [sflag:s7], $0x8000  }
0x42b: {  	[sflag:s7] =	ssyncset.done $0x0  }
0x42c: {  	[sflag:s7] =	ssyncadd.s32 $0xFFFF8000  }
0x42d: {  	_ =	sfence.sel $0x180000  }
0x42e: {  	[bflag:$0x0] =	sbarrier.arrive $0xFFFF  }
0x42f: {  	p0 =	sne.s32 s1, $0x0;
	_ =	strace $0x90000047  }
0x430: {  	s0 =	sadd.s32 @!p0 $0x100000, s0;
	[bflag:$0x2] =	sbarrier.arrive $0xFFFF  }
0x431: {  	[sflag:s0] =	ssyncadd.tile.s32 @!p0 $0x1;
	_ =	shalt  }
.Lfunc_end2:
_tile_overlayer_lowered:
.L_overlay_start_2:
0x432: {  	(tag) =	ssettag $0x2  }
0x433: {  	s0 =	rddreg [dreg:$0x0];
	s2 =	stileid.u32  }
0x434: {  	s1 =	rddreg [dreg:$0x1];
	p0 =	sne.s32 s2, $0x0  }
0x435: {  	s3 =	rddreg [dreg:$0x2];
	[bflag:$0x3] =	sbarrier.arrive $0xFFFF;
	s2 =	simm.s32 @!p0 $0x1C02  }
0x436: {  	[timem:s3], [sflag:s2] =	dma.local @!p0 [hbm:s0], s1  }
0x437: {  	s0 =	simm.s32 @!p0 $0x2  }
0x438: {  	_ =	swait.ge @!p0 [sflag:s0], s1  }
0x439: {  	s1 =	ssub.s32 @!p0 $0x0, s1;
	[sflag:s0] =	ssyncset.done @!p0 $0x0  }
0x43a: {  	[sflag:s0] =	ssyncadd.s32 @!p0 s1  }
0x43b: {  	[bflag:$0x3] =	sbarrier.arrive $0xFFFF  }
0x43c: {  	_ =	shalt  }

</sc_bundles>
